<compile_context>
chip_gen: v7x
topology: tpu7x:2x2x1
jax: 0.10.2.dev20260603
libtpu: 0.0.44.dev20260713+nightly
codegen_flags: <defaults>
</compile_context>

<pallas_src>
import functools
import math

import jax
import jax.numpy as jnp
from jax import lax
from jax.experimental import pallas as pl
from jax.experimental.pallas import tpu as pltpu
from jax.experimental.pallas import tpu_sc as plsc

MARGIN1 = 0.3
MARGIN2 = 0.3

NC = 2
NS = 16
NW = NC * NS
L = 16
TILE = 80


def _sc_triplet_partials(emb, idx_slab, *, t_valid, steps):
    d = emb.shape[1]
    pw = steps * TILE
    r4 = 4 * TILE
    mesh = plsc.VectorSubcoreMesh(
        core_axis_name="c", subcore_axis_name="s",
        num_cores=NC, num_subcores=NS)

    @functools.partial(
        pl.kernel,
        out_type=jax.ShapeDtypeStruct((NW, L), jnp.float32),
        mesh=mesh,
        scratch_types=[
            pltpu.VMEM((steps, 4, TILE), jnp.int32),
            pltpu.VMEM((r4, d), jnp.float32),
            pltpu.VMEM((r4, d), jnp.float32),
            pltpu.VMEM((L,), jnp.float32),
            pltpu.VMEM_SHARED(emb.shape, jnp.float32),
            pltpu.SemaphoreType.DMA,
            pltpu.SemaphoreType.DMA,
        ],
        compiler_params=pltpu.CompilerParams(needs_layout_passes=False),
    )
    def body(emb_hbm, idx_hbm, out_hbm, idx_v, rows0_v, rows1_v, acc_v,
             emb_sh, sem0, sem1):
        sid = lax.axis_index("s")
        wid = sid * NC + lax.axis_index("c")
        base_w = wid * pw
        lanes = lax.iota(jnp.int32, L)
        zero = jnp.zeros((L,), jnp.float32)

        rows_per_tile = emb_hbm.shape[0] // NS
        pltpu.sync_copy(emb_hbm.at[pl.ds(sid * rows_per_tile, rows_per_tile)],
                        emb_sh.at[pl.ds(sid * rows_per_tile, rows_per_tile)])
        pltpu.sync_copy(idx_hbm.at[wid], idx_v)
        plsc.subcore_barrier()

        def issue(s, rows_v, sem):
            for j in range(4):
                pltpu.async_copy(emb_sh.at[idx_v.at[s, j]],
                                 rows_v.at[pl.ds(j * TILE, TILE)], sem)

        def drain(rows_v, sem):
            for j in range(4):
                pltpu.make_async_copy(emb_sh.at[idx_v.at[0, 0]],
                                      rows_v.at[pl.ds(j * TILE, TILE)],
                                      sem).wait()

        issue(0, rows0_v, sem0)

        def compute(rows_v, s, acc):
            base = base_w + s * TILE

            def group(g, acc):
                rows = g * L + lanes

                def dstep(dd, accs):
                    aap, aar, aan = accs
                    cols = (lanes + dd) & (d - 1)
                    av = plsc.load_gather(rows_v, [rows, cols])
                    pv = plsc.load_gather(rows_v, [rows + TILE, cols])
                    rv = plsc.load_gather(rows_v, [rows + 2 * TILE, cols])
                    nv = plsc.load_gather(rows_v, [rows + 3 * TILE, cols])
                    dap = av - pv
                    dar = av - rv
                    dan = av - nv
                    return (aap + dap * dap, aar + dar * dar, aan + dan * dan)

                aap, aar, aan = lax.fori_loop(
                    0, d, dstep, (zero, zero, zero), unroll=8)
                losses = (jnp.maximum(aap - aar + MARGIN1, 0.0)
                          + jnp.maximum(aar - aan + MARGIN2, 0.0))
                gt = base + g * L + lanes
                return acc + jnp.where(gt < t_valid, losses, 0.0)

            return lax.fori_loop(0, TILE // L, group, acc)

        def double_step(i, acc):
            s0 = 2 * i
            s1 = s0 + 1
            drain(rows0_v, sem0)
            issue(s1, rows1_v, sem1)
            acc = compute(rows0_v, s0, acc)
            drain(rows1_v, sem1)

            @pl.when(s1 + 1 < steps)
            def _():
                issue(s1 + 1, rows0_v, sem0)

            return compute(rows1_v, s1, acc)

        acc = lax.fori_loop(0, steps // 2, double_step, zero)
        acc_v[...] = acc
        pltpu.sync_copy(acc_v, out_hbm.at[wid])

    return body(emb, idx_slab)


def kernel(embeddings, target, triplets):
    del target
    t = triplets.shape[0]
    steps = math.ceil(t / (NW * TILE))
    steps += steps % 2
    tpad = NW * TILE * steps
    tri = triplets.astype(jnp.int32)
    tri = jnp.pad(tri, ((0, tpad - t), (0, 0)))
    idx_slab = tri.reshape(NW, steps, TILE, 4).transpose(0, 1, 3, 2)
    parts = _sc_triplet_partials(
        embeddings, idx_slab, t_valid=t, steps=steps)
    loss = jnp.sum(parts) / jnp.float32(t)
    return (loss, jnp.asarray(t, dtype=jnp.int32))

# --- scband reference (transcript-rebuilt; emitter-appended) ---
"""Pipeline reference for scband-online-triplet-loss-63359357551229 (READ-ONLY COPY).

The authoritative reference and input builder live on the scoring server;
editing this copy changes nothing except your own understanding.
"""

import jax, jax.numpy as jnp
import numpy as np

MARGIN1 = 0.3
MARGIN2 = 0.3

def setup_inputs(seed: int = 0) -> dict:
    key = jax.random.key(seed)
    k1, k2, k3 = jax.random.split(key, 3)
    B, D, T = 4096, 128, 50000
    embeddings = jax.random.normal(k1, (B, D), dtype=jnp.float32)
    target = jax.random.randint(k2, (B,), 0, 1000, dtype=jnp.int64)
    # triplet_selector is mocked: triplets are precomputed index rows [anchor, pos, related, neg]
    triplets = jax.random.randint(k3, (T, 4), 0, B, dtype=jnp.int64)
    return {"embeddings": embeddings, "target": target, "triplets": triplets}

def reference(embeddings, target, triplets):
    # Faithful translation of OnlineTripletLoss.forward; triplet_selector.get_triplets
    # is replaced by the precomputed `triplets` tensor (int constants).
    a = jnp.take(embeddings, triplets[:, 0], axis=0)
    p = jnp.take(embeddings, triplets[:, 1], axis=0)
    r = jnp.take(embeddings, triplets[:, 2], axis=0)
    n = jnp.take(embeddings, triplets[:, 3], axis=0)
    ap_distances = jnp.sum((a - p) ** 2, axis=1)
    ar_distances = jnp.sum((a - r) ** 2, axis=1)
    an_distances = jnp.sum((a - n) ** 2, axis=1)
    losses = jax.nn.relu(ap_distances - ar_distances + MARGIN1) + jax.nn.relu(ar_distances - an_distances + MARGIN2)
    return (losses.mean(), jnp.asarray(triplets.shape[0], dtype=jnp.int32))

if __name__ == "__main__":
    import jax
    _d = setup_inputs()
    print(jax.jit(kernel)(*tuple(_d.values())))

</pallas_src>

<mosaic_0001>
#map = affine_map<(d0, d1) -> (0, 0)>
#map1 = affine_map<(d0, d1) -> (0, 0, 0, 0)>
module attributes {stable_mosaic.version = 14 : i64} {
  func.func @body(%arg0: i32, %arg1: i32, %arg2: memref<4096x128xf32, #tpu.memory_space<hbm>>, %arg3: memref<32x20x4x80xi32, #tpu.memory_space<hbm>>, %arg4: memref<32x16xf32, #tpu.memory_space<hbm>>, %arg5: memref<20x4x80xi32, #tpu.memory_space<vmem>>, %arg6: memref<320x128xf32, #tpu.memory_space<vmem>>, %arg7: memref<320x128xf32, #tpu.memory_space<vmem>>, %arg8: memref<16xf32, #tpu.memory_space<vmem>>, %arg9: memref<4096x128xf32, #tpu.memory_space<vmem_shared>>, %arg10: memref<!tpu.dma_semaphore, #tpu.memory_space<semaphore_mem>>, %arg11: memref<!tpu.dma_semaphore, #tpu.memory_space<semaphore_mem>>) attributes {dimension_semantics = [#tpu.dimension_semantics<core_parallel>, #tpu.dimension_semantics<subcore_parallel>], iteration_bounds = array<i64: 2, 16>, scalar_prefetch = 0 : i64, scratch_operands = 7 : i64, tpu.core_type = #tpu.core_type<sc_vector_subcore>, window_params = [{transform_indices = #map}, {transform_indices = #map1}, {transform_indices = #map}]} {
    %mul3A = arith.constant 2 : i32
    %mul3A_0 = arith.muli %arg1, %mul3A : i32
    %add3A = arith.addi %mul3A_0, %arg0 : i32
    %mul3A_1 = arith.constant 1600 : i32
    %mul3A_2 = arith.muli %add3A, %mul3A_1 : i32
    %iota3A = tpu.iota {dimensions = array<i32: 0>} : vector<16xi32>
    %broadcast_in_dim3A = arith.constant 0.000000e+00 : f32
    %broadcast_in_dim3A_3 = vector.broadcast %broadcast_in_dim3A : f32 to vector<16xf32>
    %mul3A_4 = arith.constant 256 : i32
    %mul3A_5 = arith.muli %arg1, %mul3A_4 : i32
    %mul3A_6 = arith.constant 256 : i32
    %mul3A_7 = arith.muli %arg1, %mul3A_6 : i32
    "tpu.region"() ({
      %run_scoped3A = tpu.sem_alloc : memref<!tpu.dma_semaphore, #tpu.memory_space<semaphore_mem>>
      %dma_start3A_57 = arith.constant 0 : i32
      %dma_start3A_58 = tpu.memref_slice %arg9[%mul3A_7, %dma_start3A_57] : memref<4096x128xf32, #tpu.memory_space<vmem_shared>> -> memref<256x128xf32, #tpu.memory_space<vmem_shared>>
      %dma_start3A_59 = arith.constant 0 : i32
      %dma_start3A_60 = tpu.memref_slice %arg2[%mul3A_5, %dma_start3A_59] : memref<4096x128xf32, #tpu.memory_space<hbm>> -> memref<256x128xf32, #tpu.memory_space<hbm>>
      tpu.enqueue_dma source(%dma_start3A_60 : memref<256x128xf32, #tpu.memory_space<hbm>>) target(%dma_start3A_58 : memref<256x128xf32, #tpu.memory_space<vmem_shared>>) target_semaphore(%run_scoped3A : memref<!tpu.dma_semaphore, #tpu.memory_space<semaphore_mem>>)
      %dma_wait3A = arith.constant 0 : i32
      %dma_wait3A_61 = tpu.memref_slice %arg9[%mul3A_7, %dma_wait3A] : memref<4096x128xf32, #tpu.memory_space<vmem_shared>> -> memref<256x128xf32, #tpu.memory_space<vmem_shared>>
      %dma_wait3A_62 = arith.constant 0 : i32
      %dma_wait3A_63 = tpu.memref_slice %arg2[%mul3A_5, %dma_wait3A_62] : memref<4096x128xf32, #tpu.memory_space<hbm>> -> memref<256x128xf32, #tpu.memory_space<hbm>>
      tpu.wait_dma2 semaphore(%run_scoped3A : memref<!tpu.dma_semaphore, #tpu.memory_space<semaphore_mem>>) src(%dma_wait3A_63 : memref<256x128xf32, #tpu.memory_space<hbm>>) dst(%dma_wait3A_61 : memref<256x128xf32, #tpu.memory_space<vmem_shared>>)
      tpu.yield
    }) : () -> ()
    "tpu.region"() ({
      %run_scoped3A = tpu.sem_alloc : memref<!tpu.dma_semaphore, #tpu.memory_space<semaphore_mem>>
      %dma_start3A_57 = arith.constant 0 : i32
      %dma_start3A_58 = arith.constant 0 : i32
      %dma_start3A_59 = arith.constant 0 : i32
      %dma_start3A_60 = tpu.memref_slice %arg3[%add3A, %dma_start3A_57, %dma_start3A_58, %dma_start3A_59] : memref<32x20x4x80xi32, #tpu.memory_space<hbm>> -> memref<1x20x4x80xi32, #tpu.memory_space<hbm>>
      %dma_start3A_61 = tpu.memref_squeeze %dma_start3A_60 : memref<1x20x4x80xi32, #tpu.memory_space<hbm>> -> memref<20x4x80xi32, #tpu.memory_space<hbm>>
      %dma_start3A_62 = arith.constant 0 : i32
      %dma_start3A_63 = arith.constant 0 : i32
      %dma_start3A_64 = arith.constant 0 : i32
      %dma_start3A_65 = tpu.memref_slice %arg3[%add3A, %dma_start3A_62, %dma_start3A_63, %dma_start3A_64] : memref<32x20x4x80xi32, #tpu.memory_space<hbm>> -> memref<1x20x4x80xi32, #tpu.memory_space<hbm>>
      %dma_start3A_66 = tpu.memref_squeeze %dma_start3A_65 : memref<1x20x4x80xi32, #tpu.memory_space<hbm>> -> memref<20x4x80xi32, #tpu.memory_space<hbm>>
      tpu.enqueue_dma source(%dma_start3A_66 : memref<20x4x80xi32, #tpu.memory_space<hbm>>) target(%arg5 : memref<20x4x80xi32, #tpu.memory_space<vmem>>) target_semaphore(%run_scoped3A : memref<!tpu.dma_semaphore, #tpu.memory_space<semaphore_mem>>)
      %dma_wait3A = arith.constant 0 : i32
      %dma_wait3A_67 = arith.constant 0 : i32
      %dma_wait3A_68 = arith.constant 0 : i32
      %dma_wait3A_69 = tpu.memref_slice %arg3[%add3A, %dma_wait3A, %dma_wait3A_67, %dma_wait3A_68] : memref<32x20x4x80xi32, #tpu.memory_space<hbm>> -> memref<1x20x4x80xi32, #tpu.memory_space<hbm>>
      %dma_wait3A_70 = tpu.memref_squeeze %dma_wait3A_69 : memref<1x20x4x80xi32, #tpu.memory_space<hbm>> -> memref<20x4x80xi32, #tpu.memory_space<hbm>>
      %dma_wait3A_71 = arith.constant 0 : i32
      %dma_wait3A_72 = arith.constant 0 : i32
      %dma_wait3A_73 = arith.constant 0 : i32
      %dma_wait3A_74 = tpu.memref_slice %arg3[%add3A, %dma_wait3A_71, %dma_wait3A_72, %dma_wait3A_73] : memref<32x20x4x80xi32, #tpu.memory_space<hbm>> -> memref<1x20x4x80xi32, #tpu.memory_space<hbm>>
      %dma_wait3A_75 = tpu.memref_squeeze %dma_wait3A_74 : memref<1x20x4x80xi32, #tpu.memory_space<hbm>> -> memref<20x4x80xi32, #tpu.memory_space<hbm>>
      tpu.wait_dma2 semaphore(%run_scoped3A : memref<!tpu.dma_semaphore, #tpu.memory_space<semaphore_mem>>) src(%dma_wait3A_75 : memref<20x4x80xi32, #tpu.memory_space<hbm>>) dst(%arg5 : memref<20x4x80xi32, #tpu.memory_space<vmem>>)
      tpu.yield
    }) : () -> ()
    %barrier3A = arith.constant 0 : index
    tpu.barrier barrier_id(%barrier3A)
    %dma_start3A = arith.constant 0 : i32
    %dma_start3A_8 = arith.constant 0 : i32
    %dma_start3A_9 = arith.constant 0 : i32
    %dma_start3A_10 = arith.constant 0 : i32
    %dma_start3A_11 = tpu.memref_slice %arg6[%dma_start3A_9, %dma_start3A_10] : memref<320x128xf32, #tpu.memory_space<vmem>> -> memref<80x128xf32, #tpu.memory_space<vmem>>
    %dma_start3A_12 = arith.constant 0 : i32
    %dma_start3A_13 = tpu.memref_slice %arg5[%dma_start3A, %dma_start3A_8, %dma_start3A_12] : memref<20x4x80xi32, #tpu.memory_space<vmem>> -> memref<1x1x80xi32, #tpu.memory_space<vmem>>
    %dma_start3A_14 = tpu.memref_squeeze %dma_start3A_13 : memref<1x1x80xi32, #tpu.memory_space<vmem>> -> memref<80xi32, #tpu.memory_space<vmem>>
    %dma_start3A_15 = arith.constant 0 : i32
    %dma_start3A_16 = arith.constant 0 : i32
    %dma_start3A_17 = tpu.memref_slice %arg9[%dma_start3A_15, %dma_start3A_16] : memref<4096x128xf32, #tpu.memory_space<vmem_shared>> -> memref<4096x128xf32, #tpu.memory_space<vmem_shared>>
    tpu.enqueue_indirect_dma source(%dma_start3A_17 : memref<4096x128xf32, #tpu.memory_space<vmem_shared>>) target(%dma_start3A_11 : memref<80x128xf32, #tpu.memory_space<vmem>>) offsets(%dma_start3A_14 : memref<80xi32, #tpu.memory_space<vmem>>) semaphore(%arg10 : memref<!tpu.dma_semaphore, #tpu.memory_space<semaphore_mem>>)
    %dma_start3A_18 = arith.constant 0 : i32
    %dma_start3A_19 = arith.constant 1 : i32
    %dma_start3A_20 = arith.constant 80 : i32
    %dma_start3A_21 = arith.constant 0 : i32
    %dma_start3A_22 = tpu.memref_slice %arg6[%dma_start3A_20, %dma_start3A_21] : memref<320x128xf32, #tpu.memory_space<vmem>> -> memref<80x128xf32, #tpu.memory_space<vmem>>
    %dma_start3A_23 = arith.constant 0 : i32
    %dma_start3A_24 = tpu.memref_slice %arg5[%dma_start3A_18, %dma_start3A_19, %dma_start3A_23] : memref<20x4x80xi32, #tpu.memory_space<vmem>> -> memref<1x1x80xi32, #tpu.memory_space<vmem>>
    %dma_start3A_25 = tpu.memref_squeeze %dma_start3A_24 : memref<1x1x80xi32, #tpu.memory_space<vmem>> -> memref<80xi32, #tpu.memory_space<vmem>>
    %dma_start3A_26 = arith.constant 0 : i32
    %dma_start3A_27 = arith.constant 0 : i32
    %dma_start3A_28 = tpu.memref_slice %arg9[%dma_start3A_26, %dma_start3A_27] : memref<4096x128xf32, #tpu.memory_space<vmem_shared>> -> memref<4096x128xf32, #tpu.memory_space<vmem_shared>>
    tpu.enqueue_indirect_dma source(%dma_start3A_28 : memref<4096x128xf32, #tpu.memory_space<vmem_shared>>) target(%dma_start3A_22 : memref<80x128xf32, #tpu.memory_space<vmem>>) offsets(%dma_start3A_25 : memref<80xi32, #tpu.memory_space<vmem>>) semaphore(%arg10 : memref<!tpu.dma_semaphore, #tpu.memory_space<semaphore_mem>>)
    %dma_start3A_29 = arith.constant 0 : i32
    %dma_start3A_30 = arith.constant 2 : i32
    %dma_start3A_31 = arith.constant 160 : i32
    %dma_start3A_32 = arith.constant 0 : i32
    %dma_start3A_33 = tpu.memref_slice %arg6[%dma_start3A_31, %dma_start3A_32] : memref<320x128xf32, #tpu.memory_space<vmem>> -> memref<80x128xf32, #tpu.memory_space<vmem>>
    %dma_start3A_34 = arith.constant 0 : i32
    %dma_start3A_35 = tpu.memref_slice %arg5[%dma_start3A_29, %dma_start3A_30, %dma_start3A_34] : memref<20x4x80xi32, #tpu.memory_space<vmem>> -> memref<1x1x80xi32, #tpu.memory_space<vmem>>
    %dma_start3A_36 = tpu.memref_squeeze %dma_start3A_35 : memref<1x1x80xi32, #tpu.memory_space<vmem>> -> memref<80xi32, #tpu.memory_space<vmem>>
    %dma_start3A_37 = arith.constant 0 : i32
    %dma_start3A_38 = arith.constant 0 : i32
    %dma_start3A_39 = tpu.memref_slice %arg9[%dma_start3A_37, %dma_start3A_38] : memref<4096x128xf32, #tpu.memory_space<vmem_shared>> -> memref<4096x128xf32, #tpu.memory_space<vmem_shared>>
    tpu.enqueue_indirect_dma source(%dma_start3A_39 : memref<4096x128xf32, #tpu.memory_space<vmem_shared>>) target(%dma_start3A_33 : memref<80x128xf32, #tpu.memory_space<vmem>>) offsets(%dma_start3A_36 : memref<80xi32, #tpu.memory_space<vmem>>) semaphore(%arg10 : memref<!tpu.dma_semaphore, #tpu.memory_space<semaphore_mem>>)
    %dma_start3A_40 = arith.constant 0 : i32
    %dma_start3A_41 = arith.constant 3 : i32
    %dma_start3A_42 = arith.constant 240 : i32
    %dma_start3A_43 = arith.constant 0 : i32
    %dma_start3A_44 = tpu.memref_slice %arg6[%dma_start3A_42, %dma_start3A_43] : memref<320x128xf32, #tpu.memory_space<vmem>> -> memref<80x128xf32, #tpu.memory_space<vmem>>
    %dma_start3A_45 = arith.constant 0 : i32
    %dma_start3A_46 = tpu.memref_slice %arg5[%dma_start3A_40, %dma_start3A_41, %dma_start3A_45] : memref<20x4x80xi32, #tpu.memory_space<vmem>> -> memref<1x1x80xi32, #tpu.memory_space<vmem>>
    %dma_start3A_47 = tpu.memref_squeeze %dma_start3A_46 : memref<1x1x80xi32, #tpu.memory_space<vmem>> -> memref<80xi32, #tpu.memory_space<vmem>>
    %dma_start3A_48 = arith.constant 0 : i32
    %dma_start3A_49 = arith.constant 0 : i32
    %dma_start3A_50 = tpu.memref_slice %arg9[%dma_start3A_48, %dma_start3A_49] : memref<4096x128xf32, #tpu.memory_space<vmem_shared>> -> memref<4096x128xf32, #tpu.memory_space<vmem_shared>>
    tpu.enqueue_indirect_dma source(%dma_start3A_50 : memref<4096x128xf32, #tpu.memory_space<vmem_shared>>) target(%dma_start3A_44 : memref<80x128xf32, #tpu.memory_space<vmem>>) offsets(%dma_start3A_47 : memref<80xi32, #tpu.memory_space<vmem>>) semaphore(%arg10 : memref<!tpu.dma_semaphore, #tpu.memory_space<semaphore_mem>>)
    %scan3A = arith.constant 0 : i32
    %scan3A_51 = arith.constant 10 : i32
    %scan3A_52 = arith.addi %scan3A, %scan3A_51 : i32
    %scan3A_53 = arith.constant 1 : i32
    %scan3A_54 = scf.for %scan3A_57 = %scan3A to %scan3A_52 step %scan3A_53 iter_args(%scan3A_58 = %broadcast_in_dim3A_3) -> (vector<16xf32>)  : i32 {
      %mul3A_59 = arith.constant 2 : i32
      %mul3A_60 = arith.muli %mul3A_59, %scan3A_57 : i32
      %add3A_61 = arith.constant 1 : i32
      %add3A_62 = arith.addi %mul3A_60, %add3A_61 : i32
      %dma_wait3A = arith.constant 0 : i32
      %dma_wait3A_63 = arith.constant 0 : i32
      %dma_wait3A_64 = arith.constant 0 : i32
      %dma_wait3A_65 = arith.constant 0 : i32
      %dma_wait3A_66 = tpu.memref_slice %arg6[%dma_wait3A_64, %dma_wait3A_65] : memref<320x128xf32, #tpu.memory_space<vmem>> -> memref<80x128xf32, #tpu.memory_space<vmem>>
      %dma_wait3A_67 = arith.constant 0 : i32
      %dma_wait3A_68 = tpu.memref_slice %arg5[%dma_wait3A, %dma_wait3A_63, %dma_wait3A_67] : memref<20x4x80xi32, #tpu.memory_space<vmem>> -> memref<1x1x80xi32, #tpu.memory_space<vmem>>
      %dma_wait3A_69 = tpu.memref_squeeze %dma_wait3A_68 : memref<1x1x80xi32, #tpu.memory_space<vmem>> -> memref<80xi32, #tpu.memory_space<vmem>>
      %dma_wait3A_70 = arith.constant 0 : i32
      %dma_wait3A_71 = arith.constant 0 : i32
      %dma_wait3A_72 = tpu.memref_slice %arg9[%dma_wait3A_70, %dma_wait3A_71] : memref<4096x128xf32, #tpu.memory_space<vmem_shared>> -> memref<4096x128xf32, #tpu.memory_space<vmem_shared>>
      tpu.wait_indirect_dma semaphore(%arg10 : memref<!tpu.dma_semaphore, #tpu.memory_space<semaphore_mem>>) src(%dma_wait3A_72 : memref<4096x128xf32, #tpu.memory_space<vmem_shared>>) dst(%dma_wait3A_66 : memref<80x128xf32, #tpu.memory_space<vmem>>)
      %dma_wait3A_73 = arith.constant 0 : i32
      %dma_wait3A_74 = arith.constant 0 : i32
      %dma_wait3A_75 = arith.constant 80 : i32
      %dma_wait3A_76 = arith.constant 0 : i32
      %dma_wait3A_77 = tpu.memref_slice %arg6[%dma_wait3A_75, %dma_wait3A_76] : memref<320x128xf32, #tpu.memory_space<vmem>> -> memref<80x128xf32, #tpu.memory_space<vmem>>
      %dma_wait3A_78 = arith.constant 0 : i32
      %dma_wait3A_79 = tpu.memref_slice %arg5[%dma_wait3A_73, %dma_wait3A_74, %dma_wait3A_78] : memref<20x4x80xi32, #tpu.memory_space<vmem>> -> memref<1x1x80xi32, #tpu.memory_space<vmem>>
      %dma_wait3A_80 = tpu.memref_squeeze %dma_wait3A_79 : memref<1x1x80xi32, #tpu.memory_space<vmem>> -> memref<80xi32, #tpu.memory_space<vmem>>
      %dma_wait3A_81 = arith.constant 0 : i32
      %dma_wait3A_82 = arith.constant 0 : i32
      %dma_wait3A_83 = tpu.memref_slice %arg9[%dma_wait3A_81, %dma_wait3A_82] : memref<4096x128xf32, #tpu.memory_space<vmem_shared>> -> memref<4096x128xf32, #tpu.memory_space<vmem_shared>>
      tpu.wait_indirect_dma semaphore(%arg10 : memref<!tpu.dma_semaphore, #tpu.memory_space<semaphore_mem>>) src(%dma_wait3A_83 : memref<4096x128xf32, #tpu.memory_space<vmem_shared>>) dst(%dma_wait3A_77 : memref<80x128xf32, #tpu.memory_space<vmem>>)
      %dma_wait3A_84 = arith.constant 0 : i32
      %dma_wait3A_85 = arith.constant 0 : i32
      %dma_wait3A_86 = arith.constant 160 : i32
      %dma_wait3A_87 = arith.constant 0 : i32
      %dma_wait3A_88 = tpu.memref_slice %arg6[%dma_wait3A_86, %dma_wait3A_87] : memref<320x128xf32, #tpu.memory_space<vmem>> -> memref<80x128xf32, #tpu.memory_space<vmem>>
      %dma_wait3A_89 = arith.constant 0 : i32
      %dma_wait3A_90 = tpu.memref_slice %arg5[%dma_wait3A_84, %dma_wait3A_85, %dma_wait3A_89] : memref<20x4x80xi32, #tpu.memory_space<vmem>> -> memref<1x1x80xi32, #tpu.memory_space<vmem>>
      %dma_wait3A_91 = tpu.memref_squeeze %dma_wait3A_90 : memref<1x1x80xi32, #tpu.memory_space<vmem>> -> memref<80xi32, #tpu.memory_space<vmem>>
      %dma_wait3A_92 = arith.constant 0 : i32
      %dma_wait3A_93 = arith.constant 0 : i32
      %dma_wait3A_94 = tpu.memref_slice %arg9[%dma_wait3A_92, %dma_wait3A_93] : memref<4096x128xf32, #tpu.memory_space<vmem_shared>> -> memref<4096x128xf32, #tpu.memory_space<vmem_shared>>
      tpu.wait_indirect_dma semaphore(%arg10 : memref<!tpu.dma_semaphore, #tpu.memory_space<semaphore_mem>>) src(%dma_wait3A_94 : memref<4096x128xf32, #tpu.memory_space<vmem_shared>>) dst(%dma_wait3A_88 : memref<80x128xf32, #tpu.memory_space<vmem>>)
      %dma_wait3A_95 = arith.constant 0 : i32
      %dma_wait3A_96 = arith.constant 0 : i32
      %dma_wait3A_97 = arith.constant 240 : i32
      %dma_wait3A_98 = arith.constant 0 : i32
      %dma_wait3A_99 = tpu.memref_slice %arg6[%dma_wait3A_97, %dma_wait3A_98] : memref<320x128xf32, #tpu.memory_space<vmem>> -> memref<80x128xf32, #tpu.memory_space<vmem>>
      %dma_wait3A_100 = arith.constant 0 : i32
      %dma_wait3A_101 = tpu.memref_slice %arg5[%dma_wait3A_95, %dma_wait3A_96, %dma_wait3A_100] : memref<20x4x80xi32, #tpu.memory_space<vmem>> -> memref<1x1x80xi32, #tpu.memory_space<vmem>>
      %dma_wait3A_102 = tpu.memref_squeeze %dma_wait3A_101 : memref<1x1x80xi32, #tpu.memory_space<vmem>> -> memref<80xi32, #tpu.memory_space<vmem>>
      %dma_wait3A_103 = arith.constant 0 : i32
      %dma_wait3A_104 = arith.constant 0 : i32
      %dma_wait3A_105 = tpu.memref_slice %arg9[%dma_wait3A_103, %dma_wait3A_104] : memref<4096x128xf32, #tpu.memory_space<vmem_shared>> -> memref<4096x128xf32, #tpu.memory_space<vmem_shared>>
      tpu.wait_indirect_dma semaphore(%arg10 : memref<!tpu.dma_semaphore, #tpu.memory_space<semaphore_mem>>) src(%dma_wait3A_105 : memref<4096x128xf32, #tpu.memory_space<vmem_shared>>) dst(%dma_wait3A_99 : memref<80x128xf32, #tpu.memory_space<vmem>>)
      %dma_start3A_106 = arith.constant 0 : i32
      %dma_start3A_107 = arith.constant 0 : i32
      %dma_start3A_108 = arith.constant 0 : i32
      %dma_start3A_109 = tpu.memref_slice %arg7[%dma_start3A_107, %dma_start3A_108] : memref<320x128xf32, #tpu.memory_space<vmem>> -> memref<80x128xf32, #tpu.memory_space<vmem>>
      %dma_start3A_110 = arith.constant 0 : i32
      %dma_start3A_111 = tpu.memref_slice %arg5[%add3A_62, %dma_start3A_106, %dma_start3A_110] : memref<20x4x80xi32, #tpu.memory_space<vmem>> -> memref<1x1x80xi32, #tpu.memory_space<vmem>>
      %dma_start3A_112 = tpu.memref_squeeze %dma_start3A_111 : memref<1x1x80xi32, #tpu.memory_space<vmem>> -> memref<80xi32, #tpu.memory_space<vmem>>
      %dma_start3A_113 = arith.constant 0 : i32
      %dma_start3A_114 = arith.constant 0 : i32
      %dma_start3A_115 = tpu.memref_slice %arg9[%dma_start3A_113, %dma_start3A_114] : memref<4096x128xf32, #tpu.memory_space<vmem_shared>> -> memref<4096x128xf32, #tpu.memory_space<vmem_shared>>
      tpu.enqueue_indirect_dma source(%dma_start3A_115 : memref<4096x128xf32, #tpu.memory_space<vmem_shared>>) target(%dma_start3A_109 : memref<80x128xf32, #tpu.memory_space<vmem>>) offsets(%dma_start3A_112 : memref<80xi32, #tpu.memory_space<vmem>>) semaphore(%arg11 : memref<!tpu.dma_semaphore, #tpu.memory_space<semaphore_mem>>)
      %dma_start3A_116 = arith.constant 1 : i32
      %dma_start3A_117 = arith.constant 80 : i32
      %dma_start3A_118 = arith.constant 0 : i32
      %dma_start3A_119 = tpu.memref_slice %arg7[%dma_start3A_117, %dma_start3A_118] : memref<320x128xf32, #tpu.memory_space<vmem>> -> memref<80x128xf32, #tpu.memory_space<vmem>>
      %dma_start3A_120 = arith.constant 0 : i32
      %dma_start3A_121 = tpu.memref_slice %arg5[%add3A_62, %dma_start3A_116, %dma_start3A_120] : memref<20x4x80xi32, #tpu.memory_space<vmem>> -> memref<1x1x80xi32, #tpu.memory_space<vmem>>
      %dma_start3A_122 = tpu.memref_squeeze %dma_start3A_121 : memref<1x1x80xi32, #tpu.memory_space<vmem>> -> memref<80xi32, #tpu.memory_space<vmem>>
      %dma_start3A_123 = arith.constant 0 : i32
      %dma_start3A_124 = arith.constant 0 : i32
      %dma_start3A_125 = tpu.memref_slice %arg9[%dma_start3A_123, %dma_start3A_124] : memref<4096x128xf32, #tpu.memory_space<vmem_shared>> -> memref<4096x128xf32, #tpu.memory_space<vmem_shared>>
      tpu.enqueue_indirect_dma source(%dma_start3A_125 : memref<4096x128xf32, #tpu.memory_space<vmem_shared>>) target(%dma_start3A_119 : memref<80x128xf32, #tpu.memory_space<vmem>>) offsets(%dma_start3A_122 : memref<80xi32, #tpu.memory_space<vmem>>) semaphore(%arg11 : memref<!tpu.dma_semaphore, #tpu.memory_space<semaphore_mem>>)
      %dma_start3A_126 = arith.constant 2 : i32
      %dma_start3A_127 = arith.constant 160 : i32
      %dma_start3A_128 = arith.constant 0 : i32
      %dma_start3A_129 = tpu.memref_slice %arg7[%dma_start3A_127, %dma_start3A_128] : memref<320x128xf32, #tpu.memory_space<vmem>> -> memref<80x128xf32, #tpu.memory_space<vmem>>
      %dma_start3A_130 = arith.constant 0 : i32
      %dma_start3A_131 = tpu.memref_slice %arg5[%add3A_62, %dma_start3A_126, %dma_start3A_130] : memref<20x4x80xi32, #tpu.memory_space<vmem>> -> memref<1x1x80xi32, #tpu.memory_space<vmem>>
      %dma_start3A_132 = tpu.memref_squeeze %dma_start3A_131 : memref<1x1x80xi32, #tpu.memory_space<vmem>> -> memref<80xi32, #tpu.memory_space<vmem>>
      %dma_start3A_133 = arith.constant 0 : i32
      %dma_start3A_134 = arith.constant 0 : i32
      %dma_start3A_135 = tpu.memref_slice %arg9[%dma_start3A_133, %dma_start3A_134] : memref<4096x128xf32, #tpu.memory_space<vmem_shared>> -> memref<4096x128xf32, #tpu.memory_space<vmem_shared>>
      tpu.enqueue_indirect_dma source(%dma_start3A_135 : memref<4096x128xf32, #tpu.memory_space<vmem_shared>>) target(%dma_start3A_129 : memref<80x128xf32, #tpu.memory_space<vmem>>) offsets(%dma_start3A_132 : memref<80xi32, #tpu.memory_space<vmem>>) semaphore(%arg11 : memref<!tpu.dma_semaphore, #tpu.memory_space<semaphore_mem>>)
      %dma_start3A_136 = arith.constant 3 : i32
      %dma_start3A_137 = arith.constant 240 : i32
      %dma_start3A_138 = arith.constant 0 : i32
      %dma_start3A_139 = tpu.memref_slice %arg7[%dma_start3A_137, %dma_start3A_138] : memref<320x128xf32, #tpu.memory_space<vmem>> -> memref<80x128xf32, #tpu.memory_space<vmem>>
      %dma_start3A_140 = arith.constant 0 : i32
      %dma_start3A_141 = tpu.memref_slice %arg5[%add3A_62, %dma_start3A_136, %dma_start3A_140] : memref<20x4x80xi32, #tpu.memory_space<vmem>> -> memref<1x1x80xi32, #tpu.memory_space<vmem>>
      %dma_start3A_142 = tpu.memref_squeeze %dma_start3A_141 : memref<1x1x80xi32, #tpu.memory_space<vmem>> -> memref<80xi32, #tpu.memory_space<vmem>>
      %dma_start3A_143 = arith.constant 0 : i32
      %dma_start3A_144 = arith.constant 0 : i32
      %dma_start3A_145 = tpu.memref_slice %arg9[%dma_start3A_143, %dma_start3A_144] : memref<4096x128xf32, #tpu.memory_space<vmem_shared>> -> memref<4096x128xf32, #tpu.memory_space<vmem_shared>>
      tpu.enqueue_indirect_dma source(%dma_start3A_145 : memref<4096x128xf32, #tpu.memory_space<vmem_shared>>) target(%dma_start3A_139 : memref<80x128xf32, #tpu.memory_space<vmem>>) offsets(%dma_start3A_142 : memref<80xi32, #tpu.memory_space<vmem>>) semaphore(%arg11 : memref<!tpu.dma_semaphore, #tpu.memory_space<semaphore_mem>>)
      %mul3A_146 = arith.constant 80 : i32
      %mul3A_147 = arith.muli %mul3A_60, %mul3A_146 : i32
      %add3A_148 = arith.addi %mul3A_2, %mul3A_147 : i32
      %scan3A_149 = arith.constant 0 : i32
      %scan3A_150 = arith.constant 5 : i32
      %scan3A_151 = arith.addi %scan3A_149, %scan3A_150 : i32
      %scan3A_152 = arith.constant 1 : i32
      %scan3A_153 = scf.for %scan3A_212 = %scan3A_149 to %scan3A_151 step %scan3A_152 iter_args(%scan3A_213 = %scan3A_58) -> (vector<16xf32>)  : i32 {
        %mul3A_214 = arith.constant 16 : i32
        %mul3A_215 = arith.muli %scan3A_212, %mul3A_214 : i32
        %add3A_216 = vector.broadcast %mul3A_215 : i32 to vector<16xi32>
        %add3A_217 = arith.addi %add3A_216, %iota3A : vector<16xi32>
        %scan3A_218 = arith.constant 0 : i32
        %scan3A_219 = arith.constant 128 : i32
        %scan3A_220 = arith.addi %scan3A_218, %scan3A_219 : i32
        %scan3A_221 = arith.constant 8 : i32
        %scan3A_222:3 = scf.for %scan3A_247 = %scan3A_218 to %scan3A_220 step %scan3A_221 iter_args(%scan3A_248 = %broadcast_in_dim3A_3, %scan3A_249 = %broadcast_in_dim3A_3, %scan3A_250 = %broadcast_in_dim3A_3) -> (vector<16xf32>, vector<16xf32>, vector<16xf32>)  : i32 {
          %add3A_251 = vector.broadcast %scan3A_247 : i32 to vector<16xi32>
          %add3A_252 = arith.addi %iota3A, %add3A_251 : vector<16xi32>
          %and3A = arith.constant 127 : i32
          %and3A_253 = vector.broadcast %and3A : i32 to vector<16xi32>
          %and3A_254 = arith.andi %add3A_252, %and3A_253 : vector<16xi32>
          %gather3A = tpu.vector_load_idx %arg6[%add3A_217, %and3A_254] : memref<320x128xf32, #tpu.memory_space<vmem>>[vector<16xi32>, vector<16xi32>], vector<16xf32>,
          %add3A_255 = arith.constant 80 : i32
          %add3A_256 = vector.broadcast %add3A_255 : i32 to vector<16xi32>
          %add3A_257 = arith.addi %add3A_217, %add3A_256 : vector<16xi32>
          %gather3A_258 = tpu.vector_load_idx %arg6[%add3A_257, %and3A_254] : memref<320x128xf32, #tpu.memory_space<vmem>>[vector<16xi32>, vector<16xi32>], vector<16xf32>,
          %add3A_259 = arith.constant 160 : i32
          %add3A_260 = vector.broadcast %add3A_259 : i32 to vector<16xi32>
          %add3A_261 = arith.addi %add3A_217, %add3A_260 : vector<16xi32>
          %gather3A_262 = tpu.vector_load_idx %arg6[%add3A_261, %and3A_254] : memref<320x128xf32, #tpu.memory_space<vmem>>[vector<16xi32>, vector<16xi32>], vector<16xf32>,
          %add3A_263 = arith.constant 240 : i32
          %add3A_264 = vector.broadcast %add3A_263 : i32 to vector<16xi32>
          %add3A_265 = arith.addi %add3A_217, %add3A_264 : vector<16xi32>
          %gather3A_266 = tpu.vector_load_idx %arg6[%add3A_265, %and3A_254] : memref<320x128xf32, #tpu.memory_space<vmem>>[vector<16xi32>, vector<16xi32>], vector<16xf32>,
          %sub3A_267 = arith.subf %gather3A, %gather3A_258 : vector<16xf32>
          %sub3A_268 = arith.subf %gather3A, %gather3A_262 : vector<16xf32>
          %sub3A_269 = arith.subf %gather3A, %gather3A_266 : vector<16xf32>
          %mul3A_270 = arith.mulf %sub3A_267, %sub3A_267 : vector<16xf32>
          %add3A_271 = arith.addf %scan3A_248, %mul3A_270 : vector<16xf32>
          %mul3A_272 = arith.mulf %sub3A_268, %sub3A_268 : vector<16xf32>
          %add3A_273 = arith.addf %scan3A_249, %mul3A_272 : vector<16xf32>
          %mul3A_274 = arith.mulf %sub3A_269, %sub3A_269 : vector<16xf32>
          %add3A_275 = arith.addf %scan3A_250, %mul3A_274 : vector<16xf32>
          %scan3A_276 = arith.constant 1 : i32
          %scan3A_277 = arith.addi %scan3A_247, %scan3A_276 : i32
          %add3A_278 = vector.broadcast %scan3A_277 : i32 to vector<16xi32>
          %add3A_279 = arith.addi %iota3A, %add3A_278 : vector<16xi32>
          %and3A_280 = arith.constant 127 : i32
          %and3A_281 = vector.broadcast %and3A_280 : i32 to vector<16xi32>
          %and3A_282 = arith.andi %add3A_279, %and3A_281 : vector<16xi32>
          %gather3A_283 = tpu.vector_load_idx %arg6[%add3A_217, %and3A_282] : memref<320x128xf32, #tpu.memory_space<vmem>>[vector<16xi32>, vector<16xi32>], vector<16xf32>,
          %add3A_284 = arith.constant 80 : i32
          %add3A_285 = vector.broadcast %add3A_284 : i32 to vector<16xi32>
          %add3A_286 = arith.addi %add3A_217, %add3A_285 : vector<16xi32>
          %gather3A_287 = tpu.vector_load_idx %arg6[%add3A_286, %and3A_282] : memref<320x128xf32, #tpu.memory_space<vmem>>[vector<16xi32>, vector<16xi32>], vector<16xf32>,
          %add3A_288 = arith.constant 160 : i32
          %add3A_289 = vector.broadcast %add3A_288 : i32 to vector<16xi32>
          %add3A_290 = arith.addi %add3A_217, %add3A_289 : vector<16xi32>
          %gather3A_291 = tpu.vector_load_idx %arg6[%add3A_290, %and3A_282] : memref<320x128xf32, #tpu.memory_space<vmem>>[vector<16xi32>, vector<16xi32>], vector<16xf32>,
          %add3A_292 = arith.constant 240 : i32
          %add3A_293 = vector.broadcast %add3A_292 : i32 to vector<16xi32>
          %add3A_294 = arith.addi %add3A_217, %add3A_293 : vector<16xi32>
          %gather3A_295 = tpu.vector_load_idx %arg6[%add3A_294, %and3A_282] : memref<320x128xf32, #tpu.memory_space<vmem>>[vector<16xi32>, vector<16xi32>], vector<16xf32>,
          %sub3A_296 = arith.subf %gather3A_283, %gather3A_287 : vector<16xf32>
          %sub3A_297 = arith.subf %gather3A_283, %gather3A_291 : vector<16xf32>
          %sub3A_298 = arith.subf %gather3A_283, %gather3A_295 : vector<16xf32>
          %mul3A_299 = arith.mulf %sub3A_296, %sub3A_296 : vector<16xf32>
          %add3A_300 = arith.addf %add3A_271, %mul3A_299 : vector<16xf32>
          %mul3A_301 = arith.mulf %sub3A_297, %sub3A_297 : vector<16xf32>
          %add3A_302 = arith.addf %add3A_273, %mul3A_301 : vector<16xf32>
          %mul3A_303 = arith.mulf %sub3A_298, %sub3A_298 : vector<16xf32>
          %add3A_304 = arith.addf %add3A_275, %mul3A_303 : vector<16xf32>
          %scan3A_305 = arith.constant 2 : i32
          %scan3A_306 = arith.addi %scan3A_247, %scan3A_305 : i32
          %add3A_307 = vector.broadcast %scan3A_306 : i32 to vector<16xi32>
          %add3A_308 = arith.addi %iota3A, %add3A_307 : vector<16xi32>
          %and3A_309 = arith.constant 127 : i32
          %and3A_310 = vector.broadcast %and3A_309 : i32 to vector<16xi32>
          %and3A_311 = arith.andi %add3A_308, %and3A_310 : vector<16xi32>
          %gather3A_312 = tpu.vector_load_idx %arg6[%add3A_217, %and3A_311] : memref<320x128xf32, #tpu.memory_space<vmem>>[vector<16xi32>, vector<16xi32>], vector<16xf32>,
          %add3A_313 = arith.constant 80 : i32
          %add3A_314 = vector.broadcast %add3A_313 : i32 to vector<16xi32>
          %add3A_315 = arith.addi %add3A_217, %add3A_314 : vector<16xi32>
          %gather3A_316 = tpu.vector_load_idx %arg6[%add3A_315, %and3A_311] : memref<320x128xf32, #tpu.memory_space<vmem>>[vector<16xi32>, vector<16xi32>], vector<16xf32>,
          %add3A_317 = arith.constant 160 : i32
          %add3A_318 = vector.broadcast %add3A_317 : i32 to vector<16xi32>
          %add3A_319 = arith.addi %add3A_217, %add3A_318 : vector<16xi32>
          %gather3A_320 = tpu.vector_load_idx %arg6[%add3A_319, %and3A_311] : memref<320x128xf32, #tpu.memory_space<vmem>>[vector<16xi32>, vector<16xi32>], vector<16xf32>,
          %add3A_321 = arith.constant 240 : i32
          %add3A_322 = vector.broadcast %add3A_321 : i32 to vector<16xi32>
          %add3A_323 = arith.addi %add3A_217, %add3A_322 : vector<16xi32>
          %gather3A_324 = tpu.vector_load_idx %arg6[%add3A_323, %and3A_311] : memref<320x128xf32, #tpu.memory_space<vmem>>[vector<16xi32>, vector<16xi32>], vector<16xf32>,
          %sub3A_325 = arith.subf %gather3A_312, %gather3A_316 : vector<16xf32>
          %sub3A_326 = arith.subf %gather3A_312, %gather3A_320 : vector<16xf32>
          %sub3A_327 = arith.subf %gather3A_312, %gather3A_324 : vector<16xf32>
          %mul3A_328 = arith.mulf %sub3A_325, %sub3A_325 : vector<16xf32>
          %add3A_329 = arith.addf %add3A_300, %mul3A_328 : vector<16xf32>
          %mul3A_330 = arith.mulf %sub3A_326, %sub3A_326 : vector<16xf32>
          %add3A_331 = arith.addf %add3A_302, %mul3A_330 : vector<16xf32>
          %mul3A_332 = arith.mulf %sub3A_327, %sub3A_327 : vector<16xf32>
          %add3A_333 = arith.addf %add3A_304, %mul3A_332 : vector<16xf32>
          %scan3A_334 = arith.constant 3 : i32
          %scan3A_335 = arith.addi %scan3A_247, %scan3A_334 : i32
          %add3A_336 = vector.broadcast %scan3A_335 : i32 to vector<16xi32>
          %add3A_337 = arith.addi %iota3A, %add3A_336 : vector<16xi32>
          %and3A_338 = arith.constant 127 : i32
          %and3A_339 = vector.broadcast %and3A_338 : i32 to vector<16xi32>
          %and3A_340 = arith.andi %add3A_337, %and3A_339 : vector<16xi32>
          %gather3A_341 = tpu.vector_load_idx %arg6[%add3A_217, %and3A_340] : memref<320x128xf32, #tpu.memory_space<vmem>>[vector<16xi32>, vector<16xi32>], vector<16xf32>,
          %add3A_342 = arith.constant 80 : i32
          %add3A_343 = vector.broadcast %add3A_342 : i32 to vector<16xi32>
          %add3A_344 = arith.addi %add3A_217, %add3A_343 : vector<16xi32>
          %gather3A_345 = tpu.vector_load_idx %arg6[%add3A_344, %and3A_340] : memref<320x128xf32, #tpu.memory_space<vmem>>[vector<16xi32>, vector<16xi32>], vector<16xf32>,
          %add3A_346 = arith.constant 160 : i32
          %add3A_347 = vector.broadcast %add3A_346 : i32 to vector<16xi32>
          %add3A_348 = arith.addi %add3A_217, %add3A_347 : vector<16xi32>
          %gather3A_349 = tpu.vector_load_idx %arg6[%add3A_348, %and3A_340] : memref<320x128xf32, #tpu.memory_space<vmem>>[vector<16xi32>, vector<16xi32>], vector<16xf32>,
          %add3A_350 = arith.constant 240 : i32
          %add3A_351 = vector.broadcast %add3A_350 : i32 to vector<16xi32>
          %add3A_352 = arith.addi %add3A_217, %add3A_351 : vector<16xi32>
          %gather3A_353 = tpu.vector_load_idx %arg6[%add3A_352, %and3A_340] : memref<320x128xf32, #tpu.memory_space<vmem>>[vector<16xi32>, vector<16xi32>], vector<16xf32>,
          %sub3A_354 = arith.subf %gather3A_341, %gather3A_345 : vector<16xf32>
          %sub3A_355 = arith.subf %gather3A_341, %gather3A_349 : vector<16xf32>
          %sub3A_356 = arith.subf %gather3A_341, %gather3A_353 : vector<16xf32>
          %mul3A_357 = arith.mulf %sub3A_354, %sub3A_354 : vector<16xf32>
          %add3A_358 = arith.addf %add3A_329, %mul3A_357 : vector<16xf32>
          %mul3A_359 = arith.mulf %sub3A_355, %sub3A_355 : vector<16xf32>
          %add3A_360 = arith.addf %add3A_331, %mul3A_359 : vector<16xf32>
          %mul3A_361 = arith.mulf %sub3A_356, %sub3A_356 : vector<16xf32>
          %add3A_362 = arith.addf %add3A_333, %mul3A_361 : vector<16xf32>
          %scan3A_363 = arith.constant 4 : i32
          %scan3A_364 = arith.addi %scan3A_247, %scan3A_363 : i32
          %add3A_365 = vector.broadcast %scan3A_364 : i32 to vector<16xi32>
          %add3A_366 = arith.addi %iota3A, %add3A_365 : vector<16xi32>
          %and3A_367 = arith.constant 127 : i32
          %and3A_368 = vector.broadcast %and3A_367 : i32 to vector<16xi32>
          %and3A_369 = arith.andi %add3A_366, %and3A_368 : vector<16xi32>
          %gather3A_370 = tpu.vector_load_idx %arg6[%add3A_217, %and3A_369] : memref<320x128xf32, #tpu.memory_space<vmem>>[vector<16xi32>, vector<16xi32>], vector<16xf32>,
          %add3A_371 = arith.constant 80 : i32
          %add3A_372 = vector.broadcast %add3A_371 : i32 to vector<16xi32>
          %add3A_373 = arith.addi %add3A_217, %add3A_372 : vector<16xi32>
          %gather3A_374 = tpu.vector_load_idx %arg6[%add3A_373, %and3A_369] : memref<320x128xf32, #tpu.memory_space<vmem>>[vector<16xi32>, vector<16xi32>], vector<16xf32>,
          %add3A_375 = arith.constant 160 : i32
          %add3A_376 = vector.broadcast %add3A_375 : i32 to vector<16xi32>
          %add3A_377 = arith.addi %add3A_217, %add3A_376 : vector<16xi32>
          %gather3A_378 = tpu.vector_load_idx %arg6[%add3A_377, %and3A_369] : memref<320x128xf32, #tpu.memory_space<vmem>>[vector<16xi32>, vector<16xi32>], vector<16xf32>,
          %add3A_379 = arith.constant 240 : i32
          %add3A_380 = vector.broadcast %add3A_379 : i32 to vector<16xi32>
          %add3A_381 = arith.addi %add3A_217, %add3A_380 : vector<16xi32>
          %gather3A_382 = tpu.vector_load_idx %arg6[%add3A_381, %and3A_369] : memref<320x128xf32, #tpu.memory_space<vmem>>[vector<16xi32>, vector<16xi32>], vector<16xf32>,
          %sub3A_383 = arith.subf %gather3A_370, %gather3A_374 : vector<16xf32>
          %sub3A_384 = arith.subf %gather3A_370, %gather3A_378 : vector<16xf32>
          %sub3A_385 = arith.subf %gather3A_370, %gather3A_382 : vector<16xf32>
          %mul3A_386 = arith.mulf %sub3A_383, %sub3A_383 : vector<16xf32>
          %add3A_387 = arith.addf %add3A_358, %mul3A_386 : vector<16xf32>
          %mul3A_388 = arith.mulf %sub3A_384, %sub3A_384 : vector<16xf32>
          %add3A_389 = arith.addf %add3A_360, %mul3A_388 : vector<16xf32>
          %mul3A_390 = arith.mulf %sub3A_385, %sub3A_385 : vector<16xf32>
          %add3A_391 = arith.addf %add3A_362, %mul3A_390 : vector<16xf32>
          %scan3A_392 = arith.constant 5 : i32
          %scan3A_393 = arith.addi %scan3A_247, %scan3A_392 : i32
          %add3A_394 = vector.broadcast %scan3A_393 : i32 to vector<16xi32>
          %add3A_395 = arith.addi %iota3A, %add3A_394 : vector<16xi32>
          %and3A_396 = arith.constant 127 : i32
          %and3A_397 = vector.broadcast %and3A_396 : i32 to vector<16xi32>
          %and3A_398 = arith.andi %add3A_395, %and3A_397 : vector<16xi32>
          %gather3A_399 = tpu.vector_load_idx %arg6[%add3A_217, %and3A_398] : memref<320x128xf32, #tpu.memory_space<vmem>>[vector<16xi32>, vector<16xi32>], vector<16xf32>,
          %add3A_400 = arith.constant 80 : i32
          %add3A_401 = vector.broadcast %add3A_400 : i32 to vector<16xi32>
          %add3A_402 = arith.addi %add3A_217, %add3A_401 : vector<16xi32>
          %gather3A_403 = tpu.vector_load_idx %arg6[%add3A_402, %and3A_398] : memref<320x128xf32, #tpu.memory_space<vmem>>[vector<16xi32>, vector<16xi32>], vector<16xf32>,
          %add3A_404 = arith.constant 160 : i32
          %add3A_405 = vector.broadcast %add3A_404 : i32 to vector<16xi32>
          %add3A_406 = arith.addi %add3A_217, %add3A_405 : vector<16xi32>
          %gather3A_407 = tpu.vector_load_idx %arg6[%add3A_406, %and3A_398] : memref<320x128xf32, #tpu.memory_space<vmem>>[vector<16xi32>, vector<16xi32>], vector<16xf32>,
          %add3A_408 = arith.constant 240 : i32
          %add3A_409 = vector.broadcast %add3A_408 : i32 to vector<16xi32>
          %add3A_410 = arith.addi %add3A_217, %add3A_409 : vector<16xi32>
          %gather3A_411 = tpu.vector_load_idx %arg6[%add3A_410, %and3A_398] : memref<320x128xf32, #tpu.memory_space<vmem>>[vector<16xi32>, vector<16xi32>], vector<16xf32>,
          %sub3A_412 = arith.subf %gather3A_399, %gather3A_403 : vector<16xf32>
          %sub3A_413 = arith.subf %gather3A_399, %gather3A_407 : vector<16xf32>
          %sub3A_414 = arith.subf %gather3A_399, %gather3A_411 : vector<16xf32>
          %mul3A_415 = arith.mulf %sub3A_412, %sub3A_412 : vector<16xf32>
          %add3A_416 = arith.addf %add3A_387, %mul3A_415 : vector<16xf32>
          %mul3A_417 = arith.mulf %sub3A_413, %sub3A_413 : vector<16xf32>
          %add3A_418 = arith.addf %add3A_389, %mul3A_417 : vector<16xf32>
          %mul3A_419 = arith.mulf %sub3A_414, %sub3A_414 : vector<16xf32>
          %add3A_420 = arith.addf %add3A_391, %mul3A_419 : vector<16xf32>
          %scan3A_421 = arith.constant 6 : i32
          %scan3A_422 = arith.addi %scan3A_247, %scan3A_421 : i32
          %add3A_423 = vector.broadcast %scan3A_422 : i32 to vector<16xi32>
          %add3A_424 = arith.addi %iota3A, %add3A_423 : vector<16xi32>
          %and3A_425 = arith.constant 127 : i32
          %and3A_426 = vector.broadcast %and3A_425 : i32 to vector<16xi32>
          %and3A_427 = arith.andi %add3A_424, %and3A_426 : vector<16xi32>
          %gather3A_428 = tpu.vector_load_idx %arg6[%add3A_217, %and3A_427] : memref<320x128xf32, #tpu.memory_space<vmem>>[vector<16xi32>, vector<16xi32>], vector<16xf32>,
          %add3A_429 = arith.constant 80 : i32
          %add3A_430 = vector.broadcast %add3A_429 : i32 to vector<16xi32>
          %add3A_431 = arith.addi %add3A_217, %add3A_430 : vector<16xi32>
          %gather3A_432 = tpu.vector_load_idx %arg6[%add3A_431, %and3A_427] : memref<320x128xf32, #tpu.memory_space<vmem>>[vector<16xi32>, vector<16xi32>], vector<16xf32>,
          %add3A_433 = arith.constant 160 : i32
          %add3A_434 = vector.broadcast %add3A_433 : i32 to vector<16xi32>
          %add3A_435 = arith.addi %add3A_217, %add3A_434 : vector<16xi32>
          %gather3A_436 = tpu.vector_load_idx %arg6[%add3A_435, %and3A_427] : memref<320x128xf32, #tpu.memory_space<vmem>>[vector<16xi32>, vector<16xi32>], vector<16xf32>,
          %add3A_437 = arith.constant 240 : i32
          %add3A_438 = vector.broadcast %add3A_437 : i32 to vector<16xi32>
          %add3A_439 = arith.addi %add3A_217, %add3A_438 : vector<16xi32>
          %gather3A_440 = tpu.vector_load_idx %arg6[%add3A_439, %and3A_427] : memref<320x128xf32, #tpu.memory_space<vmem>>[vector<16xi32>, vector<16xi32>], vector<16xf32>,
          %sub3A_441 = arith.subf %gather3A_428, %gather3A_432 : vector<16xf32>
          %sub3A_442 = arith.subf %gather3A_428, %gather3A_436 : vector<16xf32>
          %sub3A_443 = arith.subf %gather3A_428, %gather3A_440 : vector<16xf32>
          %mul3A_444 = arith.mulf %sub3A_441, %sub3A_441 : vector<16xf32>
          %add3A_445 = arith.addf %add3A_416, %mul3A_444 : vector<16xf32>
          %mul3A_446 = arith.mulf %sub3A_442, %sub3A_442 : vector<16xf32>
          %add3A_447 = arith.addf %add3A_418, %mul3A_446 : vector<16xf32>
          %mul3A_448 = arith.mulf %sub3A_443, %sub3A_443 : vector<16xf32>
          %add3A_449 = arith.addf %add3A_420, %mul3A_448 : vector<16xf32>
          %scan3A_450 = arith.constant 7 : i32
          %scan3A_451 = arith.addi %scan3A_247, %scan3A_450 : i32
          %add3A_452 = vector.broadcast %scan3A_451 : i32 to vector<16xi32>
          %add3A_453 = arith.addi %iota3A, %add3A_452 : vector<16xi32>
          %and3A_454 = arith.constant 127 : i32
          %and3A_455 = vector.broadcast %and3A_454 : i32 to vector<16xi32>
          %and3A_456 = arith.andi %add3A_453, %and3A_455 : vector<16xi32>
          %gather3A_457 = tpu.vector_load_idx %arg6[%add3A_217, %and3A_456] : memref<320x128xf32, #tpu.memory_space<vmem>>[vector<16xi32>, vector<16xi32>], vector<16xf32>,
          %add3A_458 = arith.constant 80 : i32
          %add3A_459 = vector.broadcast %add3A_458 : i32 to vector<16xi32>
          %add3A_460 = arith.addi %add3A_217, %add3A_459 : vector<16xi32>
          %gather3A_461 = tpu.vector_load_idx %arg6[%add3A_460, %and3A_456] : memref<320x128xf32, #tpu.memory_space<vmem>>[vector<16xi32>, vector<16xi32>], vector<16xf32>,
          %add3A_462 = arith.constant 160 : i32
          %add3A_463 = vector.broadcast %add3A_462 : i32 to vector<16xi32>
          %add3A_464 = arith.addi %add3A_217, %add3A_463 : vector<16xi32>
          %gather3A_465 = tpu.vector_load_idx %arg6[%add3A_464, %and3A_456] : memref<320x128xf32, #tpu.memory_space<vmem>>[vector<16xi32>, vector<16xi32>], vector<16xf32>,
          %add3A_466 = arith.constant 240 : i32
          %add3A_467 = vector.broadcast %add3A_466 : i32 to vector<16xi32>
          %add3A_468 = arith.addi %add3A_217, %add3A_467 : vector<16xi32>
          %gather3A_469 = tpu.vector_load_idx %arg6[%add3A_468, %and3A_456] : memref<320x128xf32, #tpu.memory_space<vmem>>[vector<16xi32>, vector<16xi32>], vector<16xf32>,
          %sub3A_470 = arith.subf %gather3A_457, %gather3A_461 : vector<16xf32>
          %sub3A_471 = arith.subf %gather3A_457, %gather3A_465 : vector<16xf32>
          %sub3A_472 = arith.subf %gather3A_457, %gather3A_469 : vector<16xf32>
          %mul3A_473 = arith.mulf %sub3A_470, %sub3A_470 : vector<16xf32>
          %add3A_474 = arith.addf %add3A_445, %mul3A_473 : vector<16xf32>
          %mul3A_475 = arith.mulf %sub3A_471, %sub3A_471 : vector<16xf32>
          %add3A_476 = arith.addf %add3A_447, %mul3A_475 : vector<16xf32>
          %mul3A_477 = arith.mulf %sub3A_472, %sub3A_472 : vector<16xf32>
          %add3A_478 = arith.addf %add3A_449, %mul3A_477 : vector<16xf32>
          scf.yield %add3A_474, %add3A_476, %add3A_478 : vector<16xf32>, vector<16xf32>, vector<16xf32>
        }
        %scan3A_223 = arith.constant 128 : i32
        %sub3A = arith.subf %scan3A_222#0, %scan3A_222#1 : vector<16xf32>
        %add3A_224 = arith.constant 3.000000e-01 : f32
        %add3A_225 = vector.broadcast %add3A_224 : f32 to vector<16xf32>
        %add3A_226 = arith.addf %sub3A, %add3A_225 : vector<16xf32>
        %max3A = arith.constant 0.000000e+00 : f32
        %max3A_227 = vector.broadcast %max3A : f32 to vector<16xf32>
        %max3A_228 = arith.maximumf %add3A_226, %max3A_227 : vector<16xf32>
        %sub3A_229 = arith.subf %scan3A_222#1, %scan3A_222#2 : vector<16xf32>
        %add3A_230 = arith.constant 3.000000e-01 : f32
        %add3A_231 = vector.broadcast %add3A_230 : f32 to vector<16xf32>
        %add3A_232 = arith.addf %sub3A_229, %add3A_231 : vector<16xf32>
        %max3A_233 = arith.constant 0.000000e+00 : f32
        %max3A_234 = vector.broadcast %max3A_233 : f32 to vector<16xf32>
        %max3A_235 = arith.maximumf %add3A_232, %max3A_234 : vector<16xf32>
        %add3A_236 = arith.addf %max3A_228, %max3A_235 : vector<16xf32>
        %mul3A_237 = arith.constant 16 : i32
        %mul3A_238 = arith.muli %scan3A_212, %mul3A_237 : i32
        %add3A_239 = arith.addi %add3A_148, %mul3A_238 : i32
        %add3A_240 = vector.broadcast %add3A_239 : i32 to vector<16xi32>
        %add3A_241 = arith.addi %add3A_240, %iota3A : vector<16xi32>
        %lt3A_242 = arith.constant 50000 : i32
        %lt3A_243 = vector.broadcast %lt3A_242 : i32 to vector<16xi32>
        %lt3A_244 = arith.cmpi slt, %add3A_241, %lt3A_243 : vector<16xi32>
        %jit3A = arith.constant 0.000000e+00 : f32
        %broadcast_in_dim3A_245 = vector.broadcast %jit3A : f32 to vector<16xf32>
        %select_n3A = arith.select %lt3A_244, %add3A_236, %broadcast_in_dim3A_245 : vector<16xi1>, vector<16xf32>
        %add3A_246 = arith.addf %scan3A_213, %select_n3A : vector<16xf32>
        scf.yield %add3A_246 : vector<16xf32>
      }
      %scan3A_154 = arith.constant 5 : i32
      %dma_wait3A_155 = arith.constant 0 : i32
      %dma_wait3A_156 = arith.constant 0 : i32
      %dma_wait3A_157 = arith.constant 0 : i32
      %dma_wait3A_158 = arith.constant 0 : i32
      %dma_wait3A_159 = tpu.memref_slice %arg7[%dma_wait3A_157, %dma_wait3A_158] : memref<320x128xf32, #tpu.memory_space<vmem>> -> memref<80x128xf32, #tpu.memory_space<vmem>>
      %dma_wait3A_160 = arith.constant 0 : i32
      %dma_wait3A_161 = tpu.memref_slice %arg5[%dma_wait3A_155, %dma_wait3A_156, %dma_wait3A_160] : memref<20x4x80xi32, #tpu.memory_space<vmem>> -> memref<1x1x80xi32, #tpu.memory_space<vmem>>
      %dma_wait3A_162 = tpu.memref_squeeze %dma_wait3A_161 : memref<1x1x80xi32, #tpu.memory_space<vmem>> -> memref<80xi32, #tpu.memory_space<vmem>>
      %dma_wait3A_163 = arith.constant 0 : i32
      %dma_wait3A_164 = arith.constant 0 : i32
      %dma_wait3A_165 = tpu.memref_slice %arg9[%dma_wait3A_163, %dma_wait3A_164] : memref<4096x128xf32, #tpu.memory_space<vmem_shared>> -> memref<4096x128xf32, #tpu.memory_space<vmem_shared>>
      tpu.wait_indirect_dma semaphore(%arg11 : memref<!tpu.dma_semaphore, #tpu.memory_space<semaphore_mem>>) src(%dma_wait3A_165 : memref<4096x128xf32, #tpu.memory_space<vmem_shared>>) dst(%dma_wait3A_159 : memref<80x128xf32, #tpu.memory_space<vmem>>)
      %dma_wait3A_166 = arith.constant 0 : i32
      %dma_wait3A_167 = arith.constant 0 : i32
      %dma_wait3A_168 = arith.constant 80 : i32
      %dma_wait3A_169 = arith.constant 0 : i32
      %dma_wait3A_170 = tpu.memref_slice %arg7[%dma_wait3A_168, %dma_wait3A_169] : memref<320x128xf32, #tpu.memory_space<vmem>> -> memref<80x128xf32, #tpu.memory_space<vmem>>
      %dma_wait3A_171 = arith.constant 0 : i32
      %dma_wait3A_172 = tpu.memref_slice %arg5[%dma_wait3A_166, %dma_wait3A_167, %dma_wait3A_171] : memref<20x4x80xi32, #tpu.memory_space<vmem>> -> memref<1x1x80xi32, #tpu.memory_space<vmem>>
      %dma_wait3A_173 = tpu.memref_squeeze %dma_wait3A_172 : memref<1x1x80xi32, #tpu.memory_space<vmem>> -> memref<80xi32, #tpu.memory_space<vmem>>
      %dma_wait3A_174 = arith.constant 0 : i32
      %dma_wait3A_175 = arith.constant 0 : i32
      %dma_wait3A_176 = tpu.memref_slice %arg9[%dma_wait3A_174, %dma_wait3A_175] : memref<4096x128xf32, #tpu.memory_space<vmem_shared>> -> memref<4096x128xf32, #tpu.memory_space<vmem_shared>>
      tpu.wait_indirect_dma semaphore(%arg11 : memref<!tpu.dma_semaphore, #tpu.memory_space<semaphore_mem>>) src(%dma_wait3A_176 : memref<4096x128xf32, #tpu.memory_space<vmem_shared>>) dst(%dma_wait3A_170 : memref<80x128xf32, #tpu.memory_space<vmem>>)
      %dma_wait3A_177 = arith.constant 0 : i32
      %dma_wait3A_178 = arith.constant 0 : i32
      %dma_wait3A_179 = arith.constant 160 : i32
      %dma_wait3A_180 = arith.constant 0 : i32
      %dma_wait3A_181 = tpu.memref_slice %arg7[%dma_wait3A_179, %dma_wait3A_180] : memref<320x128xf32, #tpu.memory_space<vmem>> -> memref<80x128xf32, #tpu.memory_space<vmem>>
      %dma_wait3A_182 = arith.constant 0 : i32
      %dma_wait3A_183 = tpu.memref_slice %arg5[%dma_wait3A_177, %dma_wait3A_178, %dma_wait3A_182] : memref<20x4x80xi32, #tpu.memory_space<vmem>> -> memref<1x1x80xi32, #tpu.memory_space<vmem>>
      %dma_wait3A_184 = tpu.memref_squeeze %dma_wait3A_183 : memref<1x1x80xi32, #tpu.memory_space<vmem>> -> memref<80xi32, #tpu.memory_space<vmem>>
      %dma_wait3A_185 = arith.constant 0 : i32
      %dma_wait3A_186 = arith.constant 0 : i32
      %dma_wait3A_187 = tpu.memref_slice %arg9[%dma_wait3A_185, %dma_wait3A_186] : memref<4096x128xf32, #tpu.memory_space<vmem_shared>> -> memref<4096x128xf32, #tpu.memory_space<vmem_shared>>
      tpu.wait_indirect_dma semaphore(%arg11 : memref<!tpu.dma_semaphore, #tpu.memory_space<semaphore_mem>>) src(%dma_wait3A_187 : memref<4096x128xf32, #tpu.memory_space<vmem_shared>>) dst(%dma_wait3A_181 : memref<80x128xf32, #tpu.memory_space<vmem>>)
      %dma_wait3A_188 = arith.constant 0 : i32
      %dma_wait3A_189 = arith.constant 0 : i32
      %dma_wait3A_190 = arith.constant 240 : i32
      %dma_wait3A_191 = arith.constant 0 : i32
      %dma_wait3A_192 = tpu.memref_slice %arg7[%dma_wait3A_190, %dma_wait3A_191] : memref<320x128xf32, #tpu.memory_space<vmem>> -> memref<80x128xf32, #tpu.memory_space<vmem>>
      %dma_wait3A_193 = arith.constant 0 : i32
      %dma_wait3A_194 = tpu.memref_slice %arg5[%dma_wait3A_188, %dma_wait3A_189, %dma_wait3A_193] : memref<20x4x80xi32, #tpu.memory_space<vmem>> -> memref<1x1x80xi32, #tpu.memory_space<vmem>>
      %dma_wait3A_195 = tpu.memref_squeeze %dma_wait3A_194 : memref<1x1x80xi32, #tpu.memory_space<vmem>> -> memref<80xi32, #tpu.memory_space<vmem>>
      %dma_wait3A_196 = arith.constant 0 : i32
      %dma_wait3A_197 = arith.constant 0 : i32
      %dma_wait3A_198 = tpu.memref_slice %arg9[%dma_wait3A_196, %dma_wait3A_197] : memref<4096x128xf32, #tpu.memory_space<vmem_shared>> -> memref<4096x128xf32, #tpu.memory_space<vmem_shared>>
      tpu.wait_indirect_dma semaphore(%arg11 : memref<!tpu.dma_semaphore, #tpu.memory_space<semaphore_mem>>) src(%dma_wait3A_198 : memref<4096x128xf32, #tpu.memory_space<vmem_shared>>) dst(%dma_wait3A_192 : memref<80x128xf32, #tpu.memory_space<vmem>>)
      %add3A_199 = arith.constant 1 : i32
      %add3A_200 = arith.addi %add3A_62, %add3A_199 : i32
      %lt3A = arith.constant 20 : i32
      %lt3A_201 = arith.cmpi slt, %add3A_200, %lt3A : i32
      %convert_element_type3A = arith.extui %lt3A_201 : i1 to i32
      %cond3A = arith.constant 0 : i32
      %cond3A_202 = arith.cmpi ne, %convert_element_type3A, %cond3A : i32
      scf.if %cond3A_202 {
        %add3A_212 = arith.constant 1 : i32
        %add3A_213 = arith.addi %add3A_62, %add3A_212 : i32
        %dma_start3A_214 = arith.constant 0 : i32
        %dma_start3A_215 = arith.constant 0 : i32
        %dma_start3A_216 = arith.constant 0 : i32
        %dma_start3A_217 = tpu.memref_slice %arg6[%dma_start3A_215, %dma_start3A_216] : memref<320x128xf32, #tpu.memory_space<vmem>> -> memref<80x128xf32, #tpu.memory_space<vmem>>
        %dma_start3A_218 = arith.constant 0 : i32
        %dma_start3A_219 = tpu.memref_slice %arg5[%add3A_213, %dma_start3A_214, %dma_start3A_218] : memref<20x4x80xi32, #tpu.memory_space<vmem>> -> memref<1x1x80xi32, #tpu.memory_space<vmem>>
        %dma_start3A_220 = tpu.memref_squeeze %dma_start3A_219 : memref<1x1x80xi32, #tpu.memory_space<vmem>> -> memref<80xi32, #tpu.memory_space<vmem>>
        %dma_start3A_221 = arith.constant 0 : i32
        %dma_start3A_222 = arith.constant 0 : i32
        %dma_start3A_223 = tpu.memref_slice %arg9[%dma_start3A_221, %dma_start3A_222] : memref<4096x128xf32, #tpu.memory_space<vmem_shared>> -> memref<4096x128xf32, #tpu.memory_space<vmem_shared>>
        tpu.enqueue_indirect_dma source(%dma_start3A_223 : memref<4096x128xf32, #tpu.memory_space<vmem_shared>>) target(%dma_start3A_217 : memref<80x128xf32, #tpu.memory_space<vmem>>) offsets(%dma_start3A_220 : memref<80xi32, #tpu.memory_space<vmem>>) semaphore(%arg10 : memref<!tpu.dma_semaphore, #tpu.memory_space<semaphore_mem>>)
        %dma_start3A_224 = arith.constant 1 : i32
        %dma_start3A_225 = arith.constant 80 : i32
        %dma_start3A_226 = arith.constant 0 : i32
        %dma_start3A_227 = tpu.memref_slice %arg6[%dma_start3A_225, %dma_start3A_226] : memref<320x128xf32, #tpu.memory_space<vmem>> -> memref<80x128xf32, #tpu.memory_space<vmem>>
        %dma_start3A_228 = arith.constant 0 : i32
        %dma_start3A_229 = tpu.memref_slice %arg5[%add3A_213, %dma_start3A_224, %dma_start3A_228] : memref<20x4x80xi32, #tpu.memory_space<vmem>> -> memref<1x1x80xi32, #tpu.memory_space<vmem>>
        %dma_start3A_230 = tpu.memref_squeeze %dma_start3A_229 : memref<1x1x80xi32, #tpu.memory_space<vmem>> -> memref<80xi32, #tpu.memory_space<vmem>>
        %dma_start3A_231 = arith.constant 0 : i32
        %dma_start3A_232 = arith.constant 0 : i32
        %dma_start3A_233 = tpu.memref_slice %arg9[%dma_start3A_231, %dma_start3A_232] : memref<4096x128xf32, #tpu.memory_space<vmem_shared>> -> memref<4096x128xf32, #tpu.memory_space<vmem_shared>>
        tpu.enqueue_indirect_dma source(%dma_start3A_233 : memref<4096x128xf32, #tpu.memory_space<vmem_shared>>) target(%dma_start3A_227 : memref<80x128xf32, #tpu.memory_space<vmem>>) offsets(%dma_start3A_230 : memref<80xi32, #tpu.memory_space<vmem>>) semaphore(%arg10 : memref<!tpu.dma_semaphore, #tpu.memory_space<semaphore_mem>>)
        %dma_start3A_234 = arith.constant 2 : i32
        %dma_start3A_235 = arith.constant 160 : i32
        %dma_start3A_236 = arith.constant 0 : i32
        %dma_start3A_237 = tpu.memref_slice %arg6[%dma_start3A_235, %dma_start3A_236] : memref<320x128xf32, #tpu.memory_space<vmem>> -> memref<80x128xf32, #tpu.memory_space<vmem>>
        %dma_start3A_238 = arith.constant 0 : i32
        %dma_start3A_239 = tpu.memref_slice %arg5[%add3A_213, %dma_start3A_234, %dma_start3A_238] : memref<20x4x80xi32, #tpu.memory_space<vmem>> -> memref<1x1x80xi32, #tpu.memory_space<vmem>>
        %dma_start3A_240 = tpu.memref_squeeze %dma_start3A_239 : memref<1x1x80xi32, #tpu.memory_space<vmem>> -> memref<80xi32, #tpu.memory_space<vmem>>
        %dma_start3A_241 = arith.constant 0 : i32
        %dma_start3A_242 = arith.constant 0 : i32
        %dma_start3A_243 = tpu.memref_slice %arg9[%dma_start3A_241, %dma_start3A_242] : memref<4096x128xf32, #tpu.memory_space<vmem_shared>> -> memref<4096x128xf32, #tpu.memory_space<vmem_shared>>
        tpu.enqueue_indirect_dma source(%dma_start3A_243 : memref<4096x128xf32, #tpu.memory_space<vmem_shared>>) target(%dma_start3A_237 : memref<80x128xf32, #tpu.memory_space<vmem>>) offsets(%dma_start3A_240 : memref<80xi32, #tpu.memory_space<vmem>>) semaphore(%arg10 : memref<!tpu.dma_semaphore, #tpu.memory_space<semaphore_mem>>)
        %dma_start3A_244 = arith.constant 3 : i32
        %dma_start3A_245 = arith.constant 240 : i32
        %dma_start3A_246 = arith.constant 0 : i32
        %dma_start3A_247 = tpu.memref_slice %arg6[%dma_start3A_245, %dma_start3A_246] : memref<320x128xf32, #tpu.memory_space<vmem>> -> memref<80x128xf32, #tpu.memory_space<vmem>>
        %dma_start3A_248 = arith.constant 0 : i32
        %dma_start3A_249 = tpu.memref_slice %arg5[%add3A_213, %dma_start3A_244, %dma_start3A_248] : memref<20x4x80xi32, #tpu.memory_space<vmem>> -> memref<1x1x80xi32, #tpu.memory_space<vmem>>
        %dma_start3A_250 = tpu.memref_squeeze %dma_start3A_249 : memref<1x1x80xi32, #tpu.memory_space<vmem>> -> memref<80xi32, #tpu.memory_space<vmem>>
        %dma_start3A_251 = arith.constant 0 : i32
        %dma_start3A_252 = arith.constant 0 : i32
        %dma_start3A_253 = tpu.memref_slice %arg9[%dma_start3A_251, %dma_start3A_252] : memref<4096x128xf32, #tpu.memory_space<vmem_shared>> -> memref<4096x128xf32, #tpu.memory_space<vmem_shared>>
        tpu.enqueue_indirect_dma source(%dma_start3A_253 : memref<4096x128xf32, #tpu.memory_space<vmem_shared>>) target(%dma_start3A_247 : memref<80x128xf32, #tpu.memory_space<vmem>>) offsets(%dma_start3A_250 : memref<80xi32, #tpu.memory_space<vmem>>) semaphore(%arg10 : memref<!tpu.dma_semaphore, #tpu.memory_space<semaphore_mem>>)
      } else {
      }
      %mul3A_203 = arith.constant 80 : i32
      %mul3A_204 = arith.muli %add3A_62, %mul3A_203 : i32
      %add3A_205 = arith.addi %mul3A_2, %mul3A_204 : i32
      %scan3A_206 = arith.constant 0 : i32
      %scan3A_207 = arith.constant 5 : i32
      %scan3A_208 = arith.addi %scan3A_206, %scan3A_207 : i32
      %scan3A_209 = arith.constant 1 : i32
      %scan3A_210 = scf.for %scan3A_212 = %scan3A_206 to %scan3A_208 step %scan3A_209 iter_args(%scan3A_213 = %scan3A_153) -> (vector<16xf32>)  : i32 {
        %mul3A_214 = arith.constant 16 : i32
        %mul3A_215 = arith.muli %scan3A_212, %mul3A_214 : i32
        %add3A_216 = vector.broadcast %mul3A_215 : i32 to vector<16xi32>
        %add3A_217 = arith.addi %add3A_216, %iota3A : vector<16xi32>
        %scan3A_218 = arith.constant 0 : i32
        %scan3A_219 = arith.constant 128 : i32
        %scan3A_220 = arith.addi %scan3A_218, %scan3A_219 : i32
        %scan3A_221 = arith.constant 8 : i32
        %scan3A_222:3 = scf.for %scan3A_247 = %scan3A_218 to %scan3A_220 step %scan3A_221 iter_args(%scan3A_248 = %broadcast_in_dim3A_3, %scan3A_249 = %broadcast_in_dim3A_3, %scan3A_250 = %broadcast_in_dim3A_3) -> (vector<16xf32>, vector<16xf32>, vector<16xf32>)  : i32 {
          %add3A_251 = vector.broadcast %scan3A_247 : i32 to vector<16xi32>
          %add3A_252 = arith.addi %iota3A, %add3A_251 : vector<16xi32>
          %and3A = arith.constant 127 : i32
          %and3A_253 = vector.broadcast %and3A : i32 to vector<16xi32>
          %and3A_254 = arith.andi %add3A_252, %and3A_253 : vector<16xi32>
          %gather3A = tpu.vector_load_idx %arg7[%add3A_217, %and3A_254] : memref<320x128xf32, #tpu.memory_space<vmem>>[vector<16xi32>, vector<16xi32>], vector<16xf32>,
          %add3A_255 = arith.constant 80 : i32
          %add3A_256 = vector.broadcast %add3A_255 : i32 to vector<16xi32>
          %add3A_257 = arith.addi %add3A_217, %add3A_256 : vector<16xi32>
          %gather3A_258 = tpu.vector_load_idx %arg7[%add3A_257, %and3A_254] : memref<320x128xf32, #tpu.memory_space<vmem>>[vector<16xi32>, vector<16xi32>], vector<16xf32>,
          %add3A_259 = arith.constant 160 : i32
          %add3A_260 = vector.broadcast %add3A_259 : i32 to vector<16xi32>
          %add3A_261 = arith.addi %add3A_217, %add3A_260 : vector<16xi32>
          %gather3A_262 = tpu.vector_load_idx %arg7[%add3A_261, %and3A_254] : memref<320x128xf32, #tpu.memory_space<vmem>>[vector<16xi32>, vector<16xi32>], vector<16xf32>,
          %add3A_263 = arith.constant 240 : i32
          %add3A_264 = vector.broadcast %add3A_263 : i32 to vector<16xi32>
          %add3A_265 = arith.addi %add3A_217, %add3A_264 : vector<16xi32>
          %gather3A_266 = tpu.vector_load_idx %arg7[%add3A_265, %and3A_254] : memref<320x128xf32, #tpu.memory_space<vmem>>[vector<16xi32>, vector<16xi32>], vector<16xf32>,
          %sub3A_267 = arith.subf %gather3A, %gather3A_258 : vector<16xf32>
          %sub3A_268 = arith.subf %gather3A, %gather3A_262 : vector<16xf32>
          %sub3A_269 = arith.subf %gather3A, %gather3A_266 : vector<16xf32>
          %mul3A_270 = arith.mulf %sub3A_267, %sub3A_267 : vector<16xf32>
          %add3A_271 = arith.addf %scan3A_248, %mul3A_270 : vector<16xf32>
          %mul3A_272 = arith.mulf %sub3A_268, %sub3A_268 : vector<16xf32>
          %add3A_273 = arith.addf %scan3A_249, %mul3A_272 : vector<16xf32>
          %mul3A_274 = arith.mulf %sub3A_269, %sub3A_269 : vector<16xf32>
          %add3A_275 = arith.addf %scan3A_250, %mul3A_274 : vector<16xf32>
          %scan3A_276 = arith.constant 1 : i32
          %scan3A_277 = arith.addi %scan3A_247, %scan3A_276 : i32
          %add3A_278 = vector.broadcast %scan3A_277 : i32 to vector<16xi32>
          %add3A_279 = arith.addi %iota3A, %add3A_278 : vector<16xi32>
          %and3A_280 = arith.constant 127 : i32
          %and3A_281 = vector.broadcast %and3A_280 : i32 to vector<16xi32>
          %and3A_282 = arith.andi %add3A_279, %and3A_281 : vector<16xi32>
          %gather3A_283 = tpu.vector_load_idx %arg7[%add3A_217, %and3A_282] : memref<320x128xf32, #tpu.memory_space<vmem>>[vector<16xi32>, vector<16xi32>], vector<16xf32>,
          %add3A_284 = arith.constant 80 : i32
          %add3A_285 = vector.broadcast %add3A_284 : i32 to vector<16xi32>
          %add3A_286 = arith.addi %add3A_217, %add3A_285 : vector<16xi32>
          %gather3A_287 = tpu.vector_load_idx %arg7[%add3A_286, %and3A_282] : memref<320x128xf32, #tpu.memory_space<vmem>>[vector<16xi32>, vector<16xi32>], vector<16xf32>,
          %add3A_288 = arith.constant 160 : i32
          %add3A_289 = vector.broadcast %add3A_288 : i32 to vector<16xi32>
          %add3A_290 = arith.addi %add3A_217, %add3A_289 : vector<16xi32>
          %gather3A_291 = tpu.vector_load_idx %arg7[%add3A_290, %and3A_282] : memref<320x128xf32, #tpu.memory_space<vmem>>[vector<16xi32>, vector<16xi32>], vector<16xf32>,
          %add3A_292 = arith.constant 240 : i32
          %add3A_293 = vector.broadcast %add3A_292 : i32 to vector<16xi32>
          %add3A_294 = arith.addi %add3A_217, %add3A_293 : vector<16xi32>
          %gather3A_295 = tpu.vector_load_idx %arg7[%add3A_294, %and3A_282] : memref<320x128xf32, #tpu.memory_space<vmem>>[vector<16xi32>, vector<16xi32>], vector<16xf32>,
          %sub3A_296 = arith.subf %gather3A_283, %gather3A_287 : vector<16xf32>
          %sub3A_297 = arith.subf %gather3A_283, %gather3A_291 : vector<16xf32>
          %sub3A_298 = arith.subf %gather3A_283, %gather3A_295 : vector<16xf32>
          %mul3A_299 = arith.mulf %sub3A_296, %sub3A_296 : vector<16xf32>
          %add3A_300 = arith.addf %add3A_271, %mul3A_299 : vector<16xf32>
          %mul3A_301 = arith.mulf %sub3A_297, %sub3A_297 : vector<16xf32>
          %add3A_302 = arith.addf %add3A_273, %mul3A_301 : vector<16xf32>
          %mul3A_303 = arith.mulf %sub3A_298, %sub3A_298 : vector<16xf32>
          %add3A_304 = arith.addf %add3A_275, %mul3A_303 : vector<16xf32>
          %scan3A_305 = arith.constant 2 : i32
          %scan3A_306 = arith.addi %scan3A_247, %scan3A_305 : i32
          %add3A_307 = vector.broadcast %scan3A_306 : i32 to vector<16xi32>
          %add3A_308 = arith.addi %iota3A, %add3A_307 : vector<16xi32>
          %and3A_309 = arith.constant 127 : i32
          %and3A_310 = vector.broadcast %and3A_309 : i32 to vector<16xi32>
          %and3A_311 = arith.andi %add3A_308, %and3A_310 : vector<16xi32>
          %gather3A_312 = tpu.vector_load_idx %arg7[%add3A_217, %and3A_311] : memref<320x128xf32, #tpu.memory_space<vmem>>[vector<16xi32>, vector<16xi32>], vector<16xf32>,
          %add3A_313 = arith.constant 80 : i32
          %add3A_314 = vector.broadcast %add3A_313 : i32 to vector<16xi32>
          %add3A_315 = arith.addi %add3A_217, %add3A_314 : vector<16xi32>
          %gather3A_316 = tpu.vector_load_idx %arg7[%add3A_315, %and3A_311] : memref<320x128xf32, #tpu.memory_space<vmem>>[vector<16xi32>, vector<16xi32>], vector<16xf32>,
          %add3A_317 = arith.constant 160 : i32
          %add3A_318 = vector.broadcast %add3A_317 : i32 to vector<16xi32>
          %add3A_319 = arith.addi %add3A_217, %add3A_318 : vector<16xi32>
          %gather3A_320 = tpu.vector_load_idx %arg7[%add3A_319, %and3A_311] : memref<320x128xf32, #tpu.memory_space<vmem>>[vector<16xi32>, vector<16xi32>], vector<16xf32>,
          %add3A_321 = arith.constant 240 : i32
          %add3A_322 = vector.broadcast %add3A_321 : i32 to vector<16xi32>
          %add3A_323 = arith.addi %add3A_217, %add3A_322 : vector<16xi32>
          %gather3A_324 = tpu.vector_load_idx %arg7[%add3A_323, %and3A_311] : memref<320x128xf32, #tpu.memory_space<vmem>>[vector<16xi32>, vector<16xi32>], vector<16xf32>,
          %sub3A_325 = arith.subf %gather3A_312, %gather3A_316 : vector<16xf32>
          %sub3A_326 = arith.subf %gather3A_312, %gather3A_320 : vector<16xf32>
          %sub3A_327 = arith.subf %gather3A_312, %gather3A_324 : vector<16xf32>
          %mul3A_328 = arith.mulf %sub3A_325, %sub3A_325 : vector<16xf32>
          %add3A_329 = arith.addf %add3A_300, %mul3A_328 : vector<16xf32>
          %mul3A_330 = arith.mulf %sub3A_326, %sub3A_326 : vector<16xf32>
          %add3A_331 = arith.addf %add3A_302, %mul3A_330 : vector<16xf32>
          %mul3A_332 = arith.mulf %sub3A_327, %sub3A_327 : vector<16xf32>
          %add3A_333 = arith.addf %add3A_304, %mul3A_332 : vector<16xf32>
          %scan3A_334 = arith.constant 3 : i32
          %scan3A_335 = arith.addi %scan3A_247, %scan3A_334 : i32
          %add3A_336 = vector.broadcast %scan3A_335 : i32 to vector<16xi32>
          %add3A_337 = arith.addi %iota3A, %add3A_336 : vector<16xi32>
          %and3A_338 = arith.constant 127 : i32
          %and3A_339 = vector.broadcast %and3A_338 : i32 to vector<16xi32>
          %and3A_340 = arith.andi %add3A_337, %and3A_339 : vector<16xi32>
          %gather3A_341 = tpu.vector_load_idx %arg7[%add3A_217, %and3A_340] : memref<320x128xf32, #tpu.memory_space<vmem>>[vector<16xi32>, vector<16xi32>], vector<16xf32>,
          %add3A_342 = arith.constant 80 : i32
          %add3A_343 = vector.broadcast %add3A_342 : i32 to vector<16xi32>
          %add3A_344 = arith.addi %add3A_217, %add3A_343 : vector<16xi32>
          %gather3A_345 = tpu.vector_load_idx %arg7[%add3A_344, %and3A_340] : memref<320x128xf32, #tpu.memory_space<vmem>>[vector<16xi32>, vector<16xi32>], vector<16xf32>,
          %add3A_346 = arith.constant 160 : i32
          %add3A_347 = vector.broadcast %add3A_346 : i32 to vector<16xi32>
          %add3A_348 = arith.addi %add3A_217, %add3A_347 : vector<16xi32>
          %gather3A_349 = tpu.vector_load_idx %arg7[%add3A_348, %and3A_340] : memref<320x128xf32, #tpu.memory_space<vmem>>[vector<16xi32>, vector<16xi32>], vector<16xf32>,
          %add3A_350 = arith.constant 240 : i32
          %add3A_351 = vector.broadcast %add3A_350 : i32 to vector<16xi32>
          %add3A_352 = arith.addi %add3A_217, %add3A_351 : vector<16xi32>
          %gather3A_353 = tpu.vector_load_idx %arg7[%add3A_352, %and3A_340] : memref<320x128xf32, #tpu.memory_space<vmem>>[vector<16xi32>, vector<16xi32>], vector<16xf32>,
          %sub3A_354 = arith.subf %gather3A_341, %gather3A_345 : vector<16xf32>
          %sub3A_355 = arith.subf %gather3A_341, %gather3A_349 : vector<16xf32>
          %sub3A_356 = arith.subf %gather3A_341, %gather3A_353 : vector<16xf32>
          %mul3A_357 = arith.mulf %sub3A_354, %sub3A_354 : vector<16xf32>
          %add3A_358 = arith.addf %add3A_329, %mul3A_357 : vector<16xf32>
          %mul3A_359 = arith.mulf %sub3A_355, %sub3A_355 : vector<16xf32>
          %add3A_360 = arith.addf %add3A_331, %mul3A_359 : vector<16xf32>
          %mul3A_361 = arith.mulf %sub3A_356, %sub3A_356 : vector<16xf32>
          %add3A_362 = arith.addf %add3A_333, %mul3A_361 : vector<16xf32>
          %scan3A_363 = arith.constant 4 : i32
          %scan3A_364 = arith.addi %scan3A_247, %scan3A_363 : i32
          %add3A_365 = vector.broadcast %scan3A_364 : i32 to vector<16xi32>
          %add3A_366 = arith.addi %iota3A, %add3A_365 : vector<16xi32>
          %and3A_367 = arith.constant 127 : i32
          %and3A_368 = vector.broadcast %and3A_367 : i32 to vector<16xi32>
          %and3A_369 = arith.andi %add3A_366, %and3A_368 : vector<16xi32>
          %gather3A_370 = tpu.vector_load_idx %arg7[%add3A_217, %and3A_369] : memref<320x128xf32, #tpu.memory_space<vmem>>[vector<16xi32>, vector<16xi32>], vector<16xf32>,
          %add3A_371 = arith.constant 80 : i32
          %add3A_372 = vector.broadcast %add3A_371 : i32 to vector<16xi32>
          %add3A_373 = arith.addi %add3A_217, %add3A_372 : vector<16xi32>
          %gather3A_374 = tpu.vector_load_idx %arg7[%add3A_373, %and3A_369] : memref<320x128xf32, #tpu.memory_space<vmem>>[vector<16xi32>, vector<16xi32>], vector<16xf32>,
          %add3A_375 = arith.constant 160 : i32
          %add3A_376 = vector.broadcast %add3A_375 : i32 to vector<16xi32>
          %add3A_377 = arith.addi %add3A_217, %add3A_376 : vector<16xi32>
          %gather3A_378 = tpu.vector_load_idx %arg7[%add3A_377, %and3A_369] : memref<320x128xf32, #tpu.memory_space<vmem>>[vector<16xi32>, vector<16xi32>], vector<16xf32>,
          %add3A_379 = arith.constant 240 : i32
          %add3A_380 = vector.broadcast %add3A_379 : i32 to vector<16xi32>
          %add3A_381 = arith.addi %add3A_217, %add3A_380 : vector<16xi32>
          %gather3A_382 = tpu.vector_load_idx %arg7[%add3A_381, %and3A_369] : memref<320x128xf32, #tpu.memory_space<vmem>>[vector<16xi32>, vector<16xi32>], vector<16xf32>,
          %sub3A_383 = arith.subf %gather3A_370, %gather3A_374 : vector<16xf32>
          %sub3A_384 = arith.subf %gather3A_370, %gather3A_378 : vector<16xf32>
          %sub3A_385 = arith.subf %gather3A_370, %gather3A_382 : vector<16xf32>
          %mul3A_386 = arith.mulf %sub3A_383, %sub3A_383 : vector<16xf32>
          %add3A_387 = arith.addf %add3A_358, %mul3A_386 : vector<16xf32>
          %mul3A_388 = arith.mulf %sub3A_384, %sub3A_384 : vector<16xf32>
          %add3A_389 = arith.addf %add3A_360, %mul3A_388 : vector<16xf32>
          %mul3A_390 = arith.mulf %sub3A_385, %sub3A_385 : vector<16xf32>
          %add3A_391 = arith.addf %add3A_362, %mul3A_390 : vector<16xf32>
          %scan3A_392 = arith.constant 5 : i32
          %scan3A_393 = arith.addi %scan3A_247, %scan3A_392 : i32
          %add3A_394 = vector.broadcast %scan3A_393 : i32 to vector<16xi32>
          %add3A_395 = arith.addi %iota3A, %add3A_394 : vector<16xi32>
          %and3A_396 = arith.constant 127 : i32
          %and3A_397 = vector.broadcast %and3A_396 : i32 to vector<16xi32>
          %and3A_398 = arith.andi %add3A_395, %and3A_397 : vector<16xi32>
          %gather3A_399 = tpu.vector_load_idx %arg7[%add3A_217, %and3A_398] : memref<320x128xf32, #tpu.memory_space<vmem>>[vector<16xi32>, vector<16xi32>], vector<16xf32>,
          %add3A_400 = arith.constant 80 : i32
          %add3A_401 = vector.broadcast %add3A_400 : i32 to vector<16xi32>
          %add3A_402 = arith.addi %add3A_217, %add3A_401 : vector<16xi32>
          %gather3A_403 = tpu.vector_load_idx %arg7[%add3A_402, %and3A_398] : memref<320x128xf32, #tpu.memory_space<vmem>>[vector<16xi32>, vector<16xi32>], vector<16xf32>,
          %add3A_404 = arith.constant 160 : i32
          %add3A_405 = vector.broadcast %add3A_404 : i32 to vector<16xi32>
          %add3A_406 = arith.addi %add3A_217, %add3A_405 : vector<16xi32>
          %gather3A_407 = tpu.vector_load_idx %arg7[%add3A_406, %and3A_398] : memref<320x128xf32, #tpu.memory_space<vmem>>[vector<16xi32>, vector<16xi32>], vector<16xf32>,
          %add3A_408 = arith.constant 240 : i32
          %add3A_409 = vector.broadcast %add3A_408 : i32 to vector<16xi32>
          %add3A_410 = arith.addi %add3A_217, %add3A_409 : vector<16xi32>
          %gather3A_411 = tpu.vector_load_idx %arg7[%add3A_410, %and3A_398] : memref<320x128xf32, #tpu.memory_space<vmem>>[vector<16xi32>, vector<16xi32>], vector<16xf32>,
          %sub3A_412 = arith.subf %gather3A_399, %gather3A_403 : vector<16xf32>
          %sub3A_413 = arith.subf %gather3A_399, %gather3A_407 : vector<16xf32>
          %sub3A_414 = arith.subf %gather3A_399, %gather3A_411 : vector<16xf32>
          %mul3A_415 = arith.mulf %sub3A_412, %sub3A_412 : vector<16xf32>
          %add3A_416 = arith.addf %add3A_387, %mul3A_415 : vector<16xf32>
          %mul3A_417 = arith.mulf %sub3A_413, %sub3A_413 : vector<16xf32>
          %add3A_418 = arith.addf %add3A_389, %mul3A_417 : vector<16xf32>
          %mul3A_419 = arith.mulf %sub3A_414, %sub3A_414 : vector<16xf32>
          %add3A_420 = arith.addf %add3A_391, %mul3A_419 : vector<16xf32>
          %scan3A_421 = arith.constant 6 : i32
          %scan3A_422 = arith.addi %scan3A_247, %scan3A_421 : i32
          %add3A_423 = vector.broadcast %scan3A_422 : i32 to vector<16xi32>
          %add3A_424 = arith.addi %iota3A, %add3A_423 : vector<16xi32>
          %and3A_425 = arith.constant 127 : i32
          %and3A_426 = vector.broadcast %and3A_425 : i32 to vector<16xi32>
          %and3A_427 = arith.andi %add3A_424, %and3A_426 : vector<16xi32>
          %gather3A_428 = tpu.vector_load_idx %arg7[%add3A_217, %and3A_427] : memref<320x128xf32, #tpu.memory_space<vmem>>[vector<16xi32>, vector<16xi32>], vector<16xf32>,
          %add3A_429 = arith.constant 80 : i32
          %add3A_430 = vector.broadcast %add3A_429 : i32 to vector<16xi32>
          %add3A_431 = arith.addi %add3A_217, %add3A_430 : vector<16xi32>
          %gather3A_432 = tpu.vector_load_idx %arg7[%add3A_431, %and3A_427] : memref<320x128xf32, #tpu.memory_space<vmem>>[vector<16xi32>, vector<16xi32>], vector<16xf32>,
          %add3A_433 = arith.constant 160 : i32
          %add3A_434 = vector.broadcast %add3A_433 : i32 to vector<16xi32>
          %add3A_435 = arith.addi %add3A_217, %add3A_434 : vector<16xi32>
          %gather3A_436 = tpu.vector_load_idx %arg7[%add3A_435, %and3A_427] : memref<320x128xf32, #tpu.memory_space<vmem>>[vector<16xi32>, vector<16xi32>], vector<16xf32>,
          %add3A_437 = arith.constant 240 : i32
          %add3A_438 = vector.broadcast %add3A_437 : i32 to vector<16xi32>
          %add3A_439 = arith.addi %add3A_217, %add3A_438 : vector<16xi32>
          %gather3A_440 = tpu.vector_load_idx %arg7[%add3A_439, %and3A_427] : memref<320x128xf32, #tpu.memory_space<vmem>>[vector<16xi32>, vector<16xi32>], vector<16xf32>,
          %sub3A_441 = arith.subf %gather3A_428, %gather3A_432 : vector<16xf32>
          %sub3A_442 = arith.subf %gather3A_428, %gather3A_436 : vector<16xf32>
          %sub3A_443 = arith.subf %gather3A_428, %gather3A_440 : vector<16xf32>
          %mul3A_444 = arith.mulf %sub3A_441, %sub3A_441 : vector<16xf32>
          %add3A_445 = arith.addf %add3A_416, %mul3A_444 : vector<16xf32>
          %mul3A_446 = arith.mulf %sub3A_442, %sub3A_442 : vector<16xf32>
          %add3A_447 = arith.addf %add3A_418, %mul3A_446 : vector<16xf32>
          %mul3A_448 = arith.mulf %sub3A_443, %sub3A_443 : vector<16xf32>
          %add3A_449 = arith.addf %add3A_420, %mul3A_448 : vector<16xf32>
          %scan3A_450 = arith.constant 7 : i32
          %scan3A_451 = arith.addi %scan3A_247, %scan3A_450 : i32
          %add3A_452 = vector.broadcast %scan3A_451 : i32 to vector<16xi32>
          %add3A_453 = arith.addi %iota3A, %add3A_452 : vector<16xi32>
          %and3A_454 = arith.constant 127 : i32
          %and3A_455 = vector.broadcast %and3A_454 : i32 to vector<16xi32>
          %and3A_456 = arith.andi %add3A_453, %and3A_455 : vector<16xi32>
          %gather3A_457 = tpu.vector_load_idx %arg7[%add3A_217, %and3A_456] : memref<320x128xf32, #tpu.memory_space<vmem>>[vector<16xi32>, vector<16xi32>], vector<16xf32>,
          %add3A_458 = arith.constant 80 : i32
          %add3A_459 = vector.broadcast %add3A_458 : i32 to vector<16xi32>
          %add3A_460 = arith.addi %add3A_217, %add3A_459 : vector<16xi32>
          %gather3A_461 = tpu.vector_load_idx %arg7[%add3A_460, %and3A_456] : memref<320x128xf32, #tpu.memory_space<vmem>>[vector<16xi32>, vector<16xi32>], vector<16xf32>,
          %add3A_462 = arith.constant 160 : i32
          %add3A_463 = vector.broadcast %add3A_462 : i32 to vector<16xi32>
          %add3A_464 = arith.addi %add3A_217, %add3A_463 : vector<16xi32>
          %gather3A_465 = tpu.vector_load_idx %arg7[%add3A_464, %and3A_456] : memref<320x128xf32, #tpu.memory_space<vmem>>[vector<16xi32>, vector<16xi32>], vector<16xf32>,
          %add3A_466 = arith.constant 240 : i32
          %add3A_467 = vector.broadcast %add3A_466 : i32 to vector<16xi32>
          %add3A_468 = arith.addi %add3A_217, %add3A_467 : vector<16xi32>
          %gather3A_469 = tpu.vector_load_idx %arg7[%add3A_468, %and3A_456] : memref<320x128xf32, #tpu.memory_space<vmem>>[vector<16xi32>, vector<16xi32>], vector<16xf32>,
          %sub3A_470 = arith.subf %gather3A_457, %gather3A_461 : vector<16xf32>
          %sub3A_471 = arith.subf %gather3A_457, %gather3A_465 : vector<16xf32>
          %sub3A_472 = arith.subf %gather3A_457, %gather3A_469 : vector<16xf32>
          %mul3A_473 = arith.mulf %sub3A_470, %sub3A_470 : vector<16xf32>
          %add3A_474 = arith.addf %add3A_445, %mul3A_473 : vector<16xf32>
          %mul3A_475 = arith.mulf %sub3A_471, %sub3A_471 : vector<16xf32>
          %add3A_476 = arith.addf %add3A_447, %mul3A_475 : vector<16xf32>
          %mul3A_477 = arith.mulf %sub3A_472, %sub3A_472 : vector<16xf32>
          %add3A_478 = arith.addf %add3A_449, %mul3A_477 : vector<16xf32>
          scf.yield %add3A_474, %add3A_476, %add3A_478 : vector<16xf32>, vector<16xf32>, vector<16xf32>
        }
        %scan3A_223 = arith.constant 128 : i32
        %sub3A = arith.subf %scan3A_222#0, %scan3A_222#1 : vector<16xf32>
        %add3A_224 = arith.constant 3.000000e-01 : f32
        %add3A_225 = vector.broadcast %add3A_224 : f32 to vector<16xf32>
        %add3A_226 = arith.addf %sub3A, %add3A_225 : vector<16xf32>
        %max3A = arith.constant 0.000000e+00 : f32
        %max3A_227 = vector.broadcast %max3A : f32 to vector<16xf32>
        %max3A_228 = arith.maximumf %add3A_226, %max3A_227 : vector<16xf32>
        %sub3A_229 = arith.subf %scan3A_222#1, %scan3A_222#2 : vector<16xf32>
        %add3A_230 = arith.constant 3.000000e-01 : f32
        %add3A_231 = vector.broadcast %add3A_230 : f32 to vector<16xf32>
        %add3A_232 = arith.addf %sub3A_229, %add3A_231 : vector<16xf32>
        %max3A_233 = arith.constant 0.000000e+00 : f32
        %max3A_234 = vector.broadcast %max3A_233 : f32 to vector<16xf32>
        %max3A_235 = arith.maximumf %add3A_232, %max3A_234 : vector<16xf32>
        %add3A_236 = arith.addf %max3A_228, %max3A_235 : vector<16xf32>
        %mul3A_237 = arith.constant 16 : i32
        %mul3A_238 = arith.muli %scan3A_212, %mul3A_237 : i32
        %add3A_239 = arith.addi %add3A_205, %mul3A_238 : i32
        %add3A_240 = vector.broadcast %add3A_239 : i32 to vector<16xi32>
        %add3A_241 = arith.addi %add3A_240, %iota3A : vector<16xi32>
        %lt3A_242 = arith.constant 50000 : i32
        %lt3A_243 = vector.broadcast %lt3A_242 : i32 to vector<16xi32>
        %lt3A_244 = arith.cmpi slt, %add3A_241, %lt3A_243 : vector<16xi32>
        %jit3A = arith.constant 0.000000e+00 : f32
        %broadcast_in_dim3A_245 = vector.broadcast %jit3A : f32 to vector<16xf32>
        %select_n3A = arith.select %lt3A_244, %add3A_236, %broadcast_in_dim3A_245 : vector<16xi1>, vector<16xf32>
        %add3A_246 = arith.addf %scan3A_213, %select_n3A : vector<16xf32>
        scf.yield %add3A_246 : vector<16xf32>
      }
      %scan3A_211 = arith.constant 5 : i32
      scf.yield %scan3A_210 : vector<16xf32>
    }
    %scan3A_55 = arith.constant 10 : i32
    %swap3A = arith.constant 0 : index
    %swap3A_56 = tpu.vector_load %arg8[%swap3A] {strides = array<i32>} : memref<16xf32, #tpu.memory_space<vmem>>, vector<16xf32>,
    tpu.vector_store %arg8[%swap3A], %scan3A_54 {strides = array<i32>} : memref<16xf32, #tpu.memory_space<vmem>>, vector<16xf32>,
    "tpu.region"() ({
      %run_scoped3A = tpu.sem_alloc : memref<!tpu.dma_semaphore, #tpu.memory_space<semaphore_mem>>
      %dma_start3A_57 = arith.constant 0 : i32
      %dma_start3A_58 = tpu.memref_slice %arg4[%add3A, %dma_start3A_57] : memref<32x16xf32, #tpu.memory_space<hbm>> -> memref<1x16xf32, #tpu.memory_space<hbm>>
      %dma_start3A_59 = tpu.memref_squeeze %dma_start3A_58 : memref<1x16xf32, #tpu.memory_space<hbm>> -> memref<16xf32, #tpu.memory_space<hbm>>
      %dma_start3A_60 = arith.constant 0 : i32
      %dma_start3A_61 = tpu.memref_slice %arg4[%add3A, %dma_start3A_60] : memref<32x16xf32, #tpu.memory_space<hbm>> -> memref<1x16xf32, #tpu.memory_space<hbm>>
      %dma_start3A_62 = tpu.memref_squeeze %dma_start3A_61 : memref<1x16xf32, #tpu.memory_space<hbm>> -> memref<16xf32, #tpu.memory_space<hbm>>
      tpu.enqueue_dma source(%arg8 : memref<16xf32, #tpu.memory_space<vmem>>) target(%dma_start3A_62 : memref<16xf32, #tpu.memory_space<hbm>>) target_semaphore(%run_scoped3A : memref<!tpu.dma_semaphore, #tpu.memory_space<semaphore_mem>>)
      %dma_wait3A = arith.constant 0 : i32
      %dma_wait3A_63 = tpu.memref_slice %arg4[%add3A, %dma_wait3A] : memref<32x16xf32, #tpu.memory_space<hbm>> -> memref<1x16xf32, #tpu.memory_space<hbm>>
      %dma_wait3A_64 = tpu.memref_squeeze %dma_wait3A_63 : memref<1x16xf32, #tpu.memory_space<hbm>> -> memref<16xf32, #tpu.memory_space<hbm>>
      %dma_wait3A_65 = arith.constant 0 : i32
      %dma_wait3A_66 = tpu.memref_slice %arg4[%add3A, %dma_wait3A_65] : memref<32x16xf32, #tpu.memory_space<hbm>> -> memref<1x16xf32, #tpu.memory_space<hbm>>
      %dma_wait3A_67 = tpu.memref_squeeze %dma_wait3A_66 : memref<1x16xf32, #tpu.memory_space<hbm>> -> memref<16xf32, #tpu.memory_space<hbm>>
      tpu.wait_dma2 semaphore(%run_scoped3A : memref<!tpu.dma_semaphore, #tpu.memory_space<semaphore_mem>>) src(%arg8 : memref<16xf32, #tpu.memory_space<vmem>>) dst(%dma_wait3A_67 : memref<16xf32, #tpu.memory_space<hbm>>)
      tpu.yield
    }) : () -> ()
    return
  }
}

</mosaic_0001>

<sc_bundles>
// kernel: kernel.3.cloned.1.call-start
scs
__scs_entry_jumppad:
0x0: {  	(pc) =	sbr.rel $0x88, $3  }
0x1: {  	(tag) =	ssettag $0x0;
	lr =	simm.s32 $0x1  }
0x2: {  	[smem:$0x3F9F] =	sst lr;
	_ =	strace $0xD0000000  }
0x3: {  	_ = 	snop  }
0x4: {  	_ = 	snop  }
0x5: {  	_ = 	snop  }
0x6: {  	_ = 	snop  }
0x7: {  	_ = 	snop  }
__scs_overlays_trampoline_lowered:
0x8: {  	[smem:$0x3FAE] =	sst s0  }
0x9: {  	[smem:$0x3FAF] =	sst s1  }
0xa: {  	[smem:$0x3FB0] =	sst s2  }
0xb: {  	[smem:$0x3FB1] =	sst s3  }
0xc: {  	[smem:$0x3FB2] =	sst s4  }
0xd: {  	[smem:$0x3FB3] =	sst s5  }
0xe: {  	[smem:$0x3FB4] =	sst s6  }
0xf: {  	[smem:$0x3FB5] =	sst s7  }
0x10: {  	[smem:$0x3FB6] =	sst s8  }
0x11: {  	[smem:$0x3FB7] =	sst s9;
	s0 =	simm.s32 @!p0 $0x0  }
0x12: {  	s1 =	sld [smem:$0x3F9D];
	s0 =	simm.s32 @p0 $0x1  }
0x13: {  	[smem:$0x3FB8] =	sst s0;
	s0 =	simm.s32 @!p1 $0x0  }
0x14: {  	s2 =	sld [smem:$0x3F9C];
	s0 =	simm.s32 @p1 $0x1  }
0x15: {  	[smem:$0x3FB9] =	sst s0;
	s0 =	simm.s32 @!p2 $0x0  }
0x16: {  	s3 =	sld [smem:$0x3FDB];
	s0 =	simm.s32 @p2 $0x1  }
0x17: {  	s4 =	simm.s32 $0x1BF5;
	[smem:$0x3FBB] =	sst s0  }
0x18: {  	s0 =	sld [smem:$0x3F9E];
	_ =	swait.ge [sflag:s4], $0x0  }
0x19: {  	s7 =	sld [smem:$0x3F9F]  }
0x1a: {  	s8 =	sadd.s32 $0xFFFFE003, lr  }
0x1b: {  	s9 =	sadd.s32 $0xFFFFFEF7, lr;
	s5 =	simm.s32 $0xFFFFFFFF;
	p2 =	slt.u32 s8, $0xFFFFF086  }
0x1c: {  	p1 =	slt.u32 s9, $0xF7A;
	s5 =	simm.s32 @!p2 $0x0  }
0x1d: {  	s5 =	simm.s32 @p1 $0x1;
	p0 =	seq.s32 s7, s2  }
0x1e: {  	s7 =	smul.u32 @!p0 $0xF7A, s2;
	p2 =	seq.s32 @!p0 s5, $0x0  }
0x1f: {  	s9 =	smul.u32 $0xF7A, s1;
	s8 =	simm.s32 @!p0 $0x1BF5;
	p2 =	por !p2, p0  }
0x20: {  	[sflag:s8] =	ssyncset.s32 @!p0 $0xFFFFF086;
	s6 =	sadd.s32 @!p0 s3, s7;
	s7 =	simm.s32 @!p0 $0x108  }
0x21: {  	s3 =	sadd.s32 s3, s9;
	s6 =	sadd.s32 @!p0 $0x88, s6;
	s7 =	simm.s32 @p2 $0x1082  }
0x22: {  	[simem:s7], [sflag:s8] =	dma.local @!p0 [hbm:s6], $0xF7A  }
0x23: {  	s9 =	sor.u32 $0xD0000000, s2;
	s6 =	simm.s32 $0x108;
	_ =	swait.ge @!p0 [sflag:s8], $0x0  }
0x24: {  	s3 =	sadd.s32 $0x88, s3;
	s6 =	simm.s32 @!p1 $0x1082;
	[sflag:s4] =	ssyncset.s32 $0xFFFFF086  }
0x25: {  	[simem:s6], [sflag:s4] =	dma.local [hbm:s3], $0xF7A  }
0x26: {  	[smem:$0x3F9F] =	sst s1;
	(tag) =	ssettag s2;
	_ =	strace s9  }
0x27: {  	s1 =	sld [smem:$0x3FAF]  }
0x28: {  	s2 =	sld [smem:$0x3FB0]  }
0x29: {  	s4 =	sld [smem:$0x3FB2]  }
0x2a: {  	p0 =	seq.s32 s5, $0x0;
	s5 =	sld [smem:$0x3FB3]  }
0x2b: {  	s6 =	sld [smem:$0x3FB4]  }
0x2c: {  	s7 =	sld [smem:$0x3FB5]  }
0x2d: {  	s3 =	simm.s32 $0x108;
	s8 =	sld [smem:$0x3FB6]  }
0x2e: {  	s3 =	simm.s32 @!p0 $0x1082;
	s9 =	sld [smem:$0x3FB7]  }
0x2f: {  	lr =	sadd.s32 s0, s3;
	s0 =	sld [smem:$0x3FAE]  }
0x30: {  	s3 =	sld [smem:$0x3FB1]  }
0x31: {  	[smem:$0x3FBA] =	sst s10  }
0x32: {  	s10 =	sld [smem:$0x3FB8];
	_ =	sdelay $0x3  }
0x33: {  	p0 =	seq.s32 s10, $0x1;
	s10 =	sld [smem:$0x3FBA];
	_ =	sdelay $0x3  }
0x34: {  	[smem:$0x3FBA] =	sst s10  }
0x35: {  	s10 =	sld [smem:$0x3FB9];
	_ =	sdelay $0x3  }
0x36: {  	p1 =	seq.s32 s10, $0x1;
	s10 =	sld [smem:$0x3FBA];
	_ =	sdelay $0x3  }
0x37: {  	[smem:$0x3FBA] =	sst s10  }
0x38: {  	s10 =	sld [smem:$0x3FBB]  }
0x39: {  	_ = 	snop;
	(pc) =	sbr.ind lr, $3  }
0x3a: {  	_ = 	snop  }
0x3b: {  	_ = 	snop  }
0x3c: {  	p2 =	seq.s32 s10, $0x1;
	s10 =	sld [smem:$0x3FBA]  }
0x3d: {  	_ =	shalt  }
0x3e: {  	_ =	shalt  }
0x3f: {  	_ =	shalt  }
0x40: {  	_ =	shalt  }
0x41: {  	_ =	shalt  }
0x42: {  	_ =	shalt  }
0x43: {  	_ =	shalt  }
0x44: {  	_ =	shalt  }
0x45: {  	_ =	shalt  }
0x46: {  	_ =	shalt  }
0x47: {  	_ =	shalt  }
0x48: {  	_ =	shalt  }
0x49: {  	_ =	shalt  }
0x4a: {  	_ =	shalt  }
0x4b: {  	_ =	shalt  }
0x4c: {  	_ =	shalt  }
0x4d: {  	_ =	shalt  }
0x4e: {  	_ =	shalt  }
0x4f: {  	_ =	shalt  }
0x50: {  	_ =	shalt  }
0x51: {  	_ =	shalt  }
0x52: {  	_ =	shalt  }
0x53: {  	_ =	shalt  }
0x54: {  	_ =	shalt  }
0x55: {  	_ =	shalt  }
0x56: {  	_ =	shalt  }
0x57: {  	_ =	shalt  }
0x58: {  	_ =	shalt  }
0x59: {  	_ =	shalt  }
0x5a: {  	_ =	shalt  }
0x5b: {  	_ =	shalt  }
0x5c: {  	_ =	shalt  }
0x5d: {  	_ =	shalt  }
0x5e: {  	_ =	shalt  }
0x5f: {  	_ =	shalt  }
0x60: {  	_ =	shalt  }
0x61: {  	_ =	shalt  }
0x62: {  	_ =	shalt  }
0x63: {  	_ =	shalt  }
0x64: {  	_ =	shalt  }
0x65: {  	_ =	shalt  }
0x66: {  	_ =	shalt  }
0x67: {  	_ =	shalt  }
0x68: {  	_ =	shalt  }
0x69: {  	_ =	shalt  }
0x6a: {  	_ =	shalt  }
0x6b: {  	_ =	shalt  }
0x6c: {  	_ =	shalt  }
0x6d: {  	_ =	shalt  }
0x6e: {  	_ =	shalt  }
0x6f: {  	_ =	shalt  }
0x70: {  	_ =	shalt  }
0x71: {  	_ =	shalt  }
0x72: {  	_ =	shalt  }
0x73: {  	_ =	shalt  }
0x74: {  	_ =	shalt  }
0x75: {  	_ =	shalt  }
0x76: {  	_ =	shalt  }
0x77: {  	_ =	shalt  }
0x78: {  	_ =	shalt  }
0x79: {  	_ =	shalt  }
0x7a: {  	_ =	shalt  }
0x7b: {  	_ =	shalt  }
0x7c: {  	_ =	shalt  }
0x7d: {  	_ =	shalt  }
0x7e: {  	_ =	shalt  }
0x7f: {  	_ =	shalt  }
0x80: {  	_ =	shalt  }
0x81: {  	_ =	shalt  }
0x82: {  	_ =	shalt  }
0x83: {  	_ =	shalt  }
0x84: {  	_ =	shalt  }
0x85: {  	_ =	shalt  }
0x86: {  	_ =	shalt  }
0x87: {  	_ =	shalt  }
.Lfunc_end0:
.L_simem_size_0:
called_computation_lowered:
.L_overlay_start_0:
0x88: {  	s2 =	sld [smem:$0x3FD9]  }
0x89: {  	s3 =	sld [smem:$0x3FFE];
	_ =	sdelay $0x1  }
0x8a: {  	s1 =	srdreg.scid  }
0x8b: {  	s0 =	sand.u32 $0x1, s1  }
0x8c: {  	s17 =	sshll.u32 s0, $0xA;
	s2 =	sadd.s32 s3, s2  }
0x8d: {  	s2 =	sadd.s32 s2, s17  }
0x8e: {  	[smem:$0x3FC6] =	sst s2  }
0x8f: {  	_ = 	snop  }
0x90: {  	s2 =	sld [smem:$0x3FC9];
	(tm) =	ssettm $0x1  }
0x91: {  	s18 =	sld [smem:$0x3FFB];
	_ =	sdelay $0x3  }
0x92: {  	_ =	strace s18  }
0x93: {  	s3 =	sld [smem:$0x3FFC];
	_ =	sdelay $0x3  }
0x94: {  	_ =	strace s3  }
0x95: {  	s3 =	sld [smem:$0x3FFD];
	_ =	sdelay $0x3  }
0x96: {  	_ =	strace s3  }
0x97: {  	_ =	strace $0x8FFFFFFF  }
0x98: {  	s19 =	sld [smem:$0x3FDB];
	_ =	sdelay $0x1  }
0x99: {  	s4 =	simm.s32 $_scs_section_size  }
0x9a: {  	s5 =	simm.s32 $_size__tile_overlayer_lowered;
	s6 =	simm.s32 $_tile_overlayer_lowered  }
0x9b: {  	s22 =	simm.s32 $0x1BFF;
	s21 =	sshll.u32 s6, $0x1;
	s3 =	sadd.s32 s4, s19  }
0x9c: {  	s7 =	simm.s32 $0x0;
	s20 =	sshll.u32 s5, $0x1;
	s5 =	sadd.s32 s21, s3  }
0x9d: {  	[timem:s7], [sflag:s22] =	dma.local [hbm:s5], s20  }
0x9e: {  	_ =	swait.ge [sflag:s22], s20  }
0x9f: {  	s4 =	ssub.s32 $0x0, s20;
	[sflag:s22] =	ssyncset.done $0x0  }
0xa0: {  	[sflag:s22] =	ssyncadd.s32 s4;
	_ =	sdelay $0x1  }
0xa1: {  	s23 =	simm.s32 $0x1B8B  }
0xa2: {  	_ =	swait.ge [sflag:s23], $0x1  }
0xa3: {  	[sflag:s23] =	ssyncset.done $0x0  }
0xa4: {  	s25 =	simm.s32 $0x1B8E;
	s24 =	sld [smem:$0x3FFE];
	[sflag:s23] =	ssyncadd.s32 $0xFFFFFFFF  }
0xa5: {  	s26 =	simm.s32 $execute0_lowered;
	[smem:$0x3FD2] =	sst s25  }
0xa6: {  	s5 =	sshll.u32 s26, $0x1;
	_ =	strace $0x80000046;
	[dreg:$0x1] =	wrdreg $0xFFFFFFFF  }
0xa7: {  	s28 =	simm.s32 $_size_execute0_lowered;
	s3 =	sadd.s32 s3, s5;
	[dreg:$0x0] =	wrdreg $0x0  }
0xa8: {  	s5 =	sshll.u32 s28, $0x1;
	[dreg:$0x2] =	wrdreg s3  }
0xa9: {  	[dreg:$0x3] =	wrdreg s5  }
0xaa: {  	[dreg:$0x4] =	wrdreg $0xC0  }
0xab: {  	_ =	task [dreg:s7], $0x5FFFF  }
0xac: {  	[dreg:$0x1] =	wrdreg $0xFFFFFFFF  }
0xad: {  	[dreg:$0x0] =	wrdreg $0x60  }
0xae: {  	[dreg:$0x2] =	wrdreg s2  }
0xaf: {  	[dreg:$0x3] =	wrdreg s24  }
0xb0: {  	[dreg:$0x4] =	wrdreg $0x168800  }
0xb1: {  	[dreg:$0x5] =	wrdreg $0x9  }
0xb2: {  	_ =	task.clear_ibuf [dreg:s7], $0x6FFFF;
	_ =	strace $0x90000046  }
0xb3: {  	s29 =	simm.s32 $0x9;
	_ =	strace $0x80000048  }
0xb4: {  	_ =	swait.ge [sflag:s29], $0x1  }
0xb5: {  	[sflag:s29] =	ssyncadd.s32 $0xFFFFFFFF  }
0xb6: {  	_ =	strace $0x90000048  }
0xb7: {  	_ =	sfence  }
0xb8: {  	s30 =	sld [smem:$0x0];
	_ =	sdelay $0x2  }
0xb9: {  	s31 =	sshll.u32 s1, $0xD;
	s1 =	sshrl.u32 s1, $0x2  }
0xba: {  	s3 =	sand.u32 $0x4000, s31;
	s1 =	sadd.s32 s1, s30  }
0xbb: {  	s0 =	sor.u32 s3, s0;
	s1 =	sshll.u32 s1, $0x11  }
0xbc: {  	s0 =	sor.u32 s1, s0  }
0xbd: {  	s0 =	sadd.s32 $0x8F2B, s0  }
0xbe: {  	[sflag:s0] =	ssyncadd.remote.s32 $0x1  }
0xbf: {  	_ =	sfence.sel $0xFFFF  }
0xc0: {  	[dreg:$0x0] =	wrdreg $0xFFFFFFFF;
	(pc) =	sbr.abs _section_cstart, $3  }
0xc1: {  	[dreg:$0x1] =	wrdreg $0xFFFFFFFF  }
0xc2: {  	_ =	task.clear_ibuf [dreg:s7], $0x2FFFF;
	_ =	strace $0x9FFFFFFF  }
0xc3: {  	(tm) =	ssettm $0x7FFFFFFF  }
tec
execute0_lowered:
.L_overlay_start_1:
0x0: {  	(tag) =	ssettag $0x1  }
0x1: {  	s0 =	rddreg [dreg:$0x0]  }
0x2: {  	s1 =	rddreg [dreg:$0x1];
	s3 =	srdreg.scid  }
0x3: {  	s10 =	stileid.u32;
	s2 =	rddreg [dreg:$0x2];
	s13 =	simm.s32 $0x2800  }
0x4: {  	s20 =	simm.s32 $0x1;
	s21 =	simm.s32 $0xC800;
	s22 =	simm.s32 $0xF000  }
0x5: {  	s23 =	simm.s32 $0x11800;
	s24 =	simm.s32 $0x14000;
	s25 =	simm.s32 $0x2  }
0x6: {  	s26 =	simm.s32 $0x16800;
	s28 =	simm.s32 $0x0;
	s4 =	sand.u32 $0x1, s3  }
0x7: {  	s5 =	sshll.u32 s10, $0x1;
	s3 =	simm.s32 $0x0;
	s31 =	sshll.u32 s10, $0xF  }
0x8: {  	s7 =	sshll.u32 s10, $0xC;
	s10 =	sshll.u32 s10, $0x6;
	s5 =	sor.u32 s4, s5  }
0x9: {  	[smem:$0x7FF] =	sst s3;
	s4 =	ssub.s32 $0x2, s4;
	s12 =	sadd.s32 s31, s2  }
0xa: {  	s6 =	sshll.u32 s5, $0x4;
	_ =	strace $0x80000047;
	s30 =	sshrl.u32 s4, $0x1  }
0xb: {  	v0 =	vlaneseq.u32;
	s11 =	smul.u32 $0x500, s5;
	s8 =	sadd.s32 s6, s1;
	s9 =	ssub.s32 s4, s30  }
0xc: {  	v1 =	vmul.u32 $0x80, v0;
	s4 =	smul.u32 $0x640, s5;
	s5 =	sadd.s32 s0, s7;
	s6 =	sor.u32 $0x1C03, s10  }
0xd: {  	s10 =	sshrl.u32 s12, $0x3;
	s12 =	simm.s32 $0x50;
	s7 =	sadd.s32 s1, s11  }
0xe: {  	v2 =	vor.u32 $0x7800, v1;
	v3 =	vor.u32 $0x5000, v1;
	v4 =	vor.u32 $0x2800, v1;
	s8 =	sadd.s32 $0xA000, s8;
	s9 =	smax.u32 s9, $0x1;
	s11 =	simm.s32 $0x3  }
.LBB2_1:
0xf: {  	[spmem:s10], [sflag:s6] =	dma.local [hbm:s5], $0x1000  }
0x10: {  	_ =	swait.ge [sflag:s11], $0x1000  }
0x11: {  	[sflag:s11] =	ssyncset.done $0x0  }
0x12: {  	[sflag:s11] =	ssyncadd.s32 $0xFFFFF000  }
0x13: {  	[tilespmem:s3], [sflag:$0x3] =	stream.linear.gather [hbm4b:s7+s3], $0x2800, $0x38;
	[tilespmem:$0x1E880] =	vst v63  }
0x14: {  	_ =	swait.ge [sflag:s11], $0x2800  }
0x15: {  	[sflag:s11] =	ssyncset.done $0x0  }
0x16: {  	[sflag:s11] =	ssyncadd.s32 $0xFFFFD800  }
0x17: {  	[bflag:$0x0] =	sbarrier.arrive $0xFFFF  }
0x18: {  	[tilespmem:s13], [sflag:$0x1] =	stream.indirect.gather [spmem:s2], $0x80, s3, s12, $0xb8;
	[tilespmem:$0x1E880] =	vst v63  }
0x19: {  	s0 =	simm.s32 $0x80;
	s1 =	simm.s32 $0x5000  }
0x1a: {  	[tilespmem:s1], [sflag:$0x1] =	stream.indirect.gather [spmem:s2], $0x80, s0, s12, $0xb8;
	[tilespmem:$0x1E880] =	vst v63  }
0x1b: {  	s18 =	simm.s32 $0x100;
	s19 =	simm.s32 $0x7800  }
0x1c: {  	[tilespmem:s19], [sflag:$0x1] =	stream.indirect.gather [spmem:s2], $0x80, s18, s12, $0xb8;
	[tilespmem:$0x1E880] =	vst v63  }
0x1d: {  	s30 =	simm.s32 $0x180;
	s31 =	simm.s32 $0xA000;
	s29 =	simm.s32 $0x0  }
0x1e: {  	v5 =	vimm.f32 $0.0e+00;
	[tilespmem:s31], [sflag:$0x1] =	stream.indirect.gather [spmem:s2], $0x80, s30, s12, $0xb8;
	[tilespmem:$0x1E880] =	vst v63  }
.LBB2_2:
0x1f: {  	_ =	swait.ge [sflag:s20], $0x2800  }
0x20: {  	[sflag:s20] =	ssyncset.done $0x0  }
0x21: {  	[sflag:s20] =	ssyncadd.s32 $0xFFFFD800  }
0x22: {  	_ =	swait.ge [sflag:s20], $0x2800  }
0x23: {  	[sflag:s20] =	ssyncset.done $0x0  }
0x24: {  	[sflag:s20] =	ssyncadd.s32 $0xFFFFD800  }
0x25: {  	_ =	swait.ge [sflag:s20], $0x2800  }
0x26: {  	[sflag:s20] =	ssyncset.done $0x0  }
0x27: {  	[sflag:s20] =	ssyncadd.s32 $0xFFFFD800  }
0x28: {  	s30 =	sshllo.u32 s29, $0x1;
	_ =	swait.ge [sflag:s20], $0x2800  }
0x29: {  	s0 =	sshll.u32 s30, $0x9;
	[sflag:s20] =	ssyncset.done $0x0  }
0x2a: {  	s0 =	sand.u32 $0x3FFFFE00, s0;
	[sflag:s20] =	ssyncadd.s32 $0xFFFFD800  }
0x2b: {  	[tilespmem:s21], [sflag:$0x2] =	stream.indirect.gather [spmem:s2], $0x80, s0, s12, $0xb8;
	[tilespmem:$0x1E880] =	vst v63  }
0x2c: {  	s1 =	sor.u32 $0x80, s0  }
0x2d: {  	[tilespmem:s22], [sflag:$0x2] =	stream.indirect.gather [spmem:s2], $0x80, s1, s12, $0xb8;
	[tilespmem:$0x1E880] =	vst v63  }
0x2e: {  	s18 =	sor.u32 $0x100, s0  }
0x2f: {  	[tilespmem:s23], [sflag:$0x2] =	stream.indirect.gather [spmem:s2], $0x80, s18, s12, $0xb8;
	[tilespmem:$0x1E880] =	vst v63  }
0x30: {  	s19 =	smul.u32 $0xA0, s29;
	s0 =	sor.u32 $0x180, s0  }
0x31: {  	[tilespmem:s24], [sflag:$0x2] =	stream.indirect.gather [spmem:s2], $0x80, s0, s12, $0xb8;
	[tilespmem:$0x1E880] =	vst v63  }
0x32: {  	s31 =	sadd.s32 s4, s19;
	s1 =	simm.s32 $0x0;
	s0 =	simm.s32 $0x0  }
.LBB2_3:
0x33: {  	s14 =	sshll.u32 s0, $0x4  }
0x34: {  	s15 =	simm.s32 $0x1;
	v6 =	vmov s14  }
0x35: {  	v7 =	vadd.s32 s15, v0;
	v9 =	vshll.u32 v6, $0x7  }
0x36: {  	v10 =	vand.u32 $0x7F, v7;
	v6 =	vor.u32 v1, v9  }
0x37: {  	v7 =	vadd.s32 v4, v9;
	v11 =	vor.u32 v6, v10  }
0x38: {  	s18 =	simm.s32 $0x2;
	v8 =	vadd.s32 v2, v9;
	v12 =	vor.u32 v7, v10  }
0x39: {  	v13 =	vadd.s32 s18, v0;
	v9 =	vadd.s32 v3, v9;
	v14 =	vor.u32 v8, v10  }
0x3a: {  	s19 =	simm.s32 $0x3;
	v13 =	vand.u32 $0x7F, v13;
	v10 =	vor.u32 v9, v10  }
0x3b: {  	v15 =	vadd.s32 s19, v0;
	v16 =	vor.u32 v7, v13  }
0x3c: {  	v15 =	vand.u32 $0x7F, v15;
	v17 =	vor.u32 v9, v13;
	v11 =	vld.idx.msk [tilespmem:v11+s13+$0x0], $0xffff  }
0x3d: {  	v18 =	vor.u32 v8, v15;
	v12 =	vld.idx.msk [tilespmem:v12+s13+$0x0], $0xffff  }
0x3e: {  	v21 =	vadd.s32 s1, v0;
	v19 =	vor.u32 v6, v13;
	v14 =	vld.idx.msk [tilespmem:v14+s13+$0x0], $0xffff  }
0x3f: {  	s16 =	simm.s32 $0x4;
	v21 =	vand.u32 $0x7F, v21;
	v20 =	vor.u32 v9, v15;
	v10 =	vld.idx.msk [tilespmem:v10+s13+$0x0], $0xffff  }
0x40: {  	v24 =	vadd.s32 s16, v0;
	v22 =	vor.u32 v7, v15;
	v15 =	vor.u32 v6, v15;
	v23 =	vld.idx.msk [tilespmem:v16+s13+$0x0], $0xffff  }
0x41: {  	v24 =	vand.u32 $0x7F, v24;
	v25 =	vor.u32 v9, v21;
	v17 =	vld.idx.msk [tilespmem:v17+s13+$0x0], $0xffff  }
0x42: {  	v26 =	vor.u32 v6, v24;
	v18 =	vld.idx.msk [tilespmem:v18+s13+$0x0], $0xffff  }
0x43: {  	v27 =	vor.u32 v8, v24;
	v19 =	vld.idx.msk [tilespmem:v19+s13+$0x0], $0xffff  }
0x44: {  	v28 =	vor.u32 v7, v24;
	v24 =	vor.u32 v9, v24;
	v20 =	vld.idx.msk [tilespmem:v20+s13+$0x0], $0xffff  }
0x45: {  	v15 =	vld.idx.msk [tilespmem:v15+s13+$0x0], $0xffff  }
0x46: {  	s17 =	simm.s32 $0x6;
	v13 =	vor.u32 v8, v13;
	v35 =	vld.idx.msk [tilespmem:v25+s13+$0x0], $0xffff  }
0x47: {  	v30 =	vimm.f32 $0.0e+00;
	v29 =	vadd.s32 s17, v0;
	v26 =	vld.idx.msk [tilespmem:v26+s13+$0x0], $0xffff  }
0x48: {  	s18 =	simm.s32 $0x5;
	v32 =	vor.u32 v7, v21;
	v16 =	vor.u32 v6, v21;
	v25 =	vand.u32 $0x7F, v29;
	v27 =	vld.idx.msk [tilespmem:v27+s13+$0x0], $0xffff  }
0x49: {  	v21 =	vor.u32 v8, v21;
	v29 =	vadd.s32 s18, v0;
	v24 =	vld.idx.msk [tilespmem:v24+s13+$0x0], $0xffff;
	v31 =	vor.u32 v8, v25  }
0x4a: {  	v22 =	vld.idx.msk [tilespmem:v22+s13+$0x0], $0xffff;
	v33 =	vor.u32 v6, v25;
	v34 =	vor.u32 v7, v25;
	v12 =	vsub.f32 v11, v12  }
0x4b: {  	v13 =	vld.idx.msk [tilespmem:v13+s13+$0x0], $0xffff;
	v25 =	vor.u32 v9, v25;
	v36 =	vsub.f32 v11, v10;
	v41 =	vsub.f32 v19, v17  }
0x4c: {  	s19 =	simm.s32 $0x7;
	v37 =	vld.idx.msk [tilespmem:v28+s13+$0x0], $0xffff;
	v10 =	vand.u32 $0x7F, v29;
	v11 =	vsub.f32 v11, v14;
	v14 =	vsub.f32 v19, v23  }
0x4d: {  	v38 =	vld.idx.msk [tilespmem:v32+s13+$0x0], $0xffff;
	v17 =	vadd.s32 s19, v0;
	v43 =	vsub.f32 v15, v20;
	v18 =	vsub.f32 v15, v18  }
0x4e: {  	v16 =	vld.idx.msk [tilespmem:v16+s13+$0x0], $0xffff;
	v27 =	vsub.f32 v26, v27;
	v24 =	vsub.f32 v26, v24;
	v39 =	vor.u32 v7, v10  }
0x4f: {  	v21 =	vld.idx.msk [tilespmem:v21+s13+$0x0], $0xffff;
	v40 =	vor.u32 v9, v10;
	v42 =	vand.u32 $0x7F, v17;
	v28 =	vor.u32 v8, v10  }
0x50: {  	v29 =	vld.idx.msk [tilespmem:v31+s13+$0x0], $0xffff;
	v44 =	vor.u32 v6, v10;
	v20 =	vor.u32 v6, v42;
	v11 =	vmul.f32 v11, v11  }
0x51: {  	v33 =	vld.idx.msk [tilespmem:v33+s13+$0x0], $0xffff;
	v17 =	vmul.f32 v12, v12;
	v12 =	vsub.f32 v19, v13;
	v13 =	vsub.f32 v15, v22  }
0x52: {  	v22 =	vsub.f32 v26, v37;
	v31 =	vor.u32 v9, v42;
	v37 =	vld.idx.msk [tilespmem:v34+s13+$0x0], $0xffff;
	v19 =	vmul.f32 v14, v14  }
0x53: {  	v34 =	vld.idx.msk [tilespmem:v25+s13+$0x0], $0xffff;
	v25 =	vor.u32 v8, v42;
	v14 =	vmul.f32 v18, v18;
	v18 =	vmul.f32 v43, v43  }
0x54: {  	v23 =	vor.u32 v7, v42;
	v15 =	vmul.f32 v12, v12;
	v12 =	vmul.f32 v13, v13;
	v39 =	vld.idx.msk [tilespmem:v39+s13+$0x0], $0xffff  }
0x55: {  	v10 =	vmul.f32 v22, v22;
	v13 =	vmul.f32 v27, v27;
	v63 =	vsub.f32 v16, v21;
	v27 =	vld.idx.msk [tilespmem:v40+s13+$0x0], $0xffff  }
0x56: {  	v26 =	vimm.f32 $0.0e+00;
	v22 =	vmul.f32 v36, v36;
	v21 =	vmul.f32 v41, v41;
	v32 =	vld.idx.msk [tilespmem:v44+s13+$0x0], $0xffff  }
0x57: {  	s15 =	simm.s32 $0x8;
	v40 =	vsub.f32 v16, v35;
	v35 =	vimm.f32 $0.0e+00;
	v20 =	vld.idx.msk [tilespmem:v20+s13+$0x0], $0xffff;
	v36 =	vmul.f32 v63, v63  }
.LBB2_4:
0x58: {  	s17 =	sadd.s32 $0x1, s15  }
0x59: {  	p0 =	slt.u32 s15, $0x78;
	v24 =	vmul.f32 v24, v24;
	v28 =	vld.idx.msk [tilespmem:v28+s13+$0x0], $0xffff;
	v37 =	vsub.f32 v33, v37;
	v29 =	vsub.f32 v33, v29;
	s16 =	smov.u32 s15;
	s15 =	sadd.s32 $0x8, s15  }
0x5a: {  	v33 =	vsub.f32 v33, v34;
	v41 =	vadd.s32 s17, v0;
	s17 =	sadd.s32 $0x2, s16;
	s18 =	sadd.s32 $0x5, s16;
	v40 =	vmul.f32 v40, v40;
	v34 =	vld.idx.msk [tilespmem:v23+s13+$0x0], $0xffff  }
0x5b: {  	v41 =	vand.u32 $0x7F, v41;
	v42 =	vadd.s32 s17, v0;
	v23 =	vmul.f32 v29, v29;
	v29 =	vld.idx.msk [tilespmem:v31+s13+$0x0], $0xffff  }
0x5c: {  	v31 =	vor.u32 v6, v41;
	v43 =	vor.u32 v8, v41;
	v30 =	vadd.f32 v40, v30  }
0x5d: {  	s19 =	sadd.s32 $0x4, s16;
	v16 =	vsub.f32 v16, v38;
	s17 =	sadd.s32 $0x3, s16;
	v40 =	vor.u32 v7, v41;
	v41 =	vor.u32 v9, v41  }
0x5e: {  	v38 =	vand.u32 $0x7F, v42;
	v42 =	vadd.s32 s17, v0;
	v39 =	vsub.f32 v32, v39  }
0x5f: {  	v44 =	vor.u32 v6, v38;
	v45 =	vor.u32 v7, v38;
	v28 =	vsub.f32 v32, v28  }
0x60: {  	v46 =	vor.u32 v9, v38;
	v42 =	vand.u32 $0x7F, v42;
	v34 =	vsub.f32 v20, v34;
	v25 =	vld.idx.msk [tilespmem:v25+s13+$0x0], $0xffff  }
0x61: {  	v35 =	vadd.f32 v36, v35;
	v47 =	vor.u32 v6, v42;
	v48 =	vor.u32 v8, v42;
	v31 =	vld.idx.msk [tilespmem:v31+s13+$0x0], $0xffff  }
0x62: {  	v36 =	vadd.s32 s16, v0;
	v50 =	vmul.f32 v37, v37;
	v49 =	vor.u32 v9, v42;
	v40 =	vld.idx.msk [tilespmem:v40+s13+$0x0], $0xffff  }
0x63: {  	v36 =	vand.u32 $0x7F, v36;
	v42 =	vor.u32 v7, v42;
	v37 =	vld.idx.msk [tilespmem:v43+s13+$0x0], $0xffff;
	v43 =	vmul.f32 v28, v28  }
0x64: {  	v51 =	vor.u32 v7, v36;
	v52 =	vmul.f32 v34, v34;
	v28 =	vor.u32 v6, v36;
	v41 =	vld.idx.msk [tilespmem:v41+s13+$0x0], $0xffff  }
0x65: {  	v53 =	vadd.s32 s19, v0;
	v27 =	vsub.f32 v32, v27;
	v34 =	vor.u32 v8, v36;
	v45 =	vld.idx.msk [tilespmem:v45+s13+$0x0], $0xffff  }
0x66: {  	v16 =	vmul.f32 v16, v16;
	v32 =	vld.idx.msk [tilespmem:v46+s13+$0x0], $0xffff;
	v46 =	vand.u32 $0x7F, v53;
	v53 =	vadd.s32 s18, v0  }
0x67: {  	v29 =	vsub.f32 v20, v29;
	v36 =	vor.u32 v9, v36;
	v48 =	vld.idx.msk [tilespmem:v48+s13+$0x0], $0xffff;
	v54 =	vor.u32 v6, v46  }
0x68: {  	v38 =	vor.u32 v8, v38;
	v16 =	vadd.f32 v16, v26;
	v40 =	vsub.f32 v31, v40;
	v44 =	vld.idx.msk [tilespmem:v44+s13+$0x0], $0xffff  }
0x69: {  	v56 =	vmul.f32 v29, v29;
	v55 =	vor.u32 v9, v46;
	v26 =	vld.idx.msk [tilespmem:v49+s13+$0x0], $0xffff;
	v49 =	vor.u32 v7, v46  }
0x6a: {  	v17 =	vadd.f32 v17, v16;
	v29 =	vor.u32 v8, v46;
	v41 =	vsub.f32 v31, v41;
	v42 =	vld.idx.msk [tilespmem:v42+s13+$0x0], $0xffff  }
0x6b: {  	s17 =	sadd.s32 $0x6, s16;
	v20 =	vsub.f32 v20, v25;
	v46 =	vld.idx.msk [tilespmem:v47+s13+$0x0], $0xffff;
	v47 =	vand.u32 $0x7F, v53;
	v53 =	vmul.f32 v33, v33  }
0x6c: {  	v27 =	vmul.f32 v27, v27;
	v25 =	vadd.s32 s17, v0;
	v16 =	vld.idx.msk [tilespmem:v28+s13+$0x0], $0xffff;
	v57 =	vor.u32 v7, v47  }
0x6d: {  	v11 =	vadd.f32 v11, v35;
	v25 =	vand.u32 $0x7F, v25;
	v58 =	vor.u32 v9, v47;
	v36 =	vld.idx.msk [tilespmem:v36+s13+$0x0], $0xffff  }
0x6e: {  	v22 =	vadd.f32 v22, v30;
	v33 =	vor.u32 v6, v25;
	v32 =	vsub.f32 v44, v32;
	v35 =	vld.idx.msk [tilespmem:v54+s13+$0x0], $0xffff  }
0x6f: {  	v17 =	vadd.f32 v19, v17;
	v54 =	vor.u32 v8, v25;
	v30 =	vld.idx.msk [tilespmem:v38+s13+$0x0], $0xffff;
	v38 =	vor.u32 v7, v25  }
0x70: {  	v15 =	vadd.f32 v15, v11;
	v19 =	vsub.f32 v44, v45;
	v45 =	vld.idx.msk [tilespmem:v55+s13+$0x0], $0xffff;
	v55 =	vor.u32 v9, v25  }
0x71: {  	s16 =	sadd.s32 $0x7, s16;
	v21 =	vadd.f32 v21, v22;
	v22 =	vmul.f32 v39, v39;
	v59 =	vsub.f32 v46, v26;
	v25 =	vld.idx.msk [tilespmem:v29+s13+$0x0], $0xffff  }
0x72: {  	v11 =	vsub.f32 v31, v37;
	v31 =	vadd.s32 s16, v0;
	v26 =	vld.idx.msk [tilespmem:v49+s13+$0x0], $0xffff;
	v49 =	vmul.f32 v20, v20  }
0x73: {  	v12 =	vadd.f32 v12, v17;
	v28 =	vor.u32 v8, v47;
	v39 =	vsub.f32 v46, v48  }
0x74: {  	v14 =	vadd.f32 v14, v15;
	v18 =	vadd.f32 v18, v21;
	v11 =	vmul.f32 v11, v11  }
0x75: {  	v10 =	vadd.f32 v10, v12;
	v17 =	vmul.f32 v40, v40;
	v15 =	vsub.f32 v44, v30;
	v29 =	vld.idx.msk [tilespmem:v54+s13+$0x0], $0xffff  }
0x76: {  	v13 =	vadd.f32 v13, v14;
	v21 =	vand.u32 $0x7F, v31;
	v12 =	vsub.f32 v46, v42  }
0x77: {  	v18 =	vadd.f32 v24, v18;
	v14 =	vor.u32 v6, v21;
	v30 =	vsub.f32 v35, v25  }
0x78: {  	v22 =	vadd.f32 v22, v10;
	v31 =	vor.u32 v9, v21;
	v20 =	vsub.f32 v35, v26;
	v24 =	vld.idx.msk [tilespmem:v34+s13+$0x0], $0xffff  }
0x79: {  	v13 =	vadd.f32 v43, v13;
	v42 =	vor.u32 v6, v47;
	v25 =	vor.u32 v8, v21;
	v33 =	vld.idx.msk [tilespmem:v33+s13+$0x0], $0xffff  }
0x7a: {  	v18 =	vadd.f32 v27, v18;
	v12 =	vmul.f32 v12, v12;
	v15 =	vmul.f32 v15, v15;
	v37 =	vld.idx.msk [tilespmem:v38+s13+$0x0], $0xffff  }
0x7b: {  	v19 =	vmul.f32 v19, v19;
	v26 =	vadd.f32 v50, v22;
	v10 =	vmul.f32 v20, v20;
	v34 =	vld.idx.msk [tilespmem:v55+s13+$0x0], $0xffff  }
.Ltmp0:
0x7c: {  	v40 =	vadd.f32 v23, v13;
	v22 =	vmul.f32 v41, v41;
	v41 =	vadd.f32 v53, v18;
	v20 =	vld.idx.msk [tilespmem:v14+s13+$0x0], $0xffff;
	(pc) =	sbr.rel @p0 .LBB2_4-.Ltmp0, $4  }
0x7d: {  	v23 =	vor.u32 v7, v21;
	v26 =	vadd.f32 v52, v26;
	v14 =	vmul.f32 v39, v39;
	v38 =	vld.idx.msk [tilespmem:v51+s13+$0x0], $0xffff  }
0x7e: {  	v21 =	vmul.f32 v32, v32;
	v13 =	vmul.f32 v30, v30;
	v43 =	vsub.f32 v16, v24;
	v39 =	vld.idx.msk [tilespmem:v57+s13+$0x0], $0xffff  }
0x7f: {  	v18 =	vmul.f32 v59, v59;
	v24 =	vsub.f32 v35, v45;
	v35 =	vadd.f32 v49, v40;
	v27 =	vld.idx.msk [tilespmem:v58+s13+$0x0], $0xffff  }
0x80: {  	v30 =	vadd.f32 v56, v41;
	v40 =	vsub.f32 v16, v36;
	v36 =	vmul.f32 v43, v43;
	v32 =	vld.idx.msk [tilespmem:v42+s13+$0x0], $0xffff  }
0x81: {  	_ =	sdelay $0x3  }
0x82: {  	v7 =	vld.idx.msk [tilespmem:v28+s13+$0x0], $0xffff;
	v6 =	vsub.f32 v16, v38  }
0x83: {  	v8 =	vsub.f32 v33, v37;
	v9 =	vmul.f32 v40, v40;
	v48 =	vadd.f32 v36, v35  }
0x84: {  	v45 =	vsub.f32 v33, v29;
	v46 =	vsub.f32 v33, v34;
	v23 =	vld.idx.msk [tilespmem:v23+s13+$0x0], $0xffff;
	v6 =	vmul.f32 v6, v6  }
0x85: {  	v9 =	vadd.f32 v9, v30;
	v11 =	vadd.f32 v11, v48  }
0x86: {  	v49 =	vld.idx.msk [tilespmem:v31+s13+$0x0], $0xffff;
	v47 =	vsub.f32 v32, v39;
	v6 =	vadd.f32 v6, v26  }
0x87: {  	v54 =	vsub.f32 v32, v27;
	v7 =	vsub.f32 v32, v7  }
0x88: {  	v9 =	vadd.f32 v22, v9;
	v6 =	vadd.f32 v17, v6  }
0x89: {  	v50 =	vsub.f32 v20, v23;
	v11 =	vadd.f32 v15, v11  }
0x8a: {  	v52 =	vld.idx.msk [tilespmem:v25+s13+$0x0], $0xffff;
	v9 =	vadd.f32 v21, v9;
	v6 =	vadd.f32 v19, v6  }
0x8b: {  	v51 =	vmul.f32 v24, v24;
	v55 =	vsub.f32 v20, v49;
	v11 =	vadd.f32 v14, v11  }
0x8c: {  	v53 =	vmul.f32 v45, v45;
	v9 =	vadd.f32 v18, v9;
	v6 =	vadd.f32 v12, v6  }
0x8d: {  	v56 =	vmul.f32 v47, v47;
	v7 =	vmul.f32 v7, v7;
	v11 =	vadd.f32 v13, v11  }
0x8e: {  	v57 =	vmul.f32 v54, v54;
	v9 =	vadd.f32 v51, v9;
	v6 =	vadd.f32 v10, v6  }
0x8f: {  	v8 =	vmul.f32 v8, v8;
	v58 =	vsub.f32 v20, v52;
	v7 =	vadd.f32 v7, v11  }
0x90: {  	v59 =	vmul.f32 v46, v46;
	v9 =	vadd.f32 v57, v9;
	v6 =	vadd.f32 v56, v6  }
0x91: {  	v60 =	vmul.f32 v50, v50;
	v62 =	vmul.f32 v58, v58;
	v7 =	vadd.f32 v53, v7  }
0x92: {  	v61 =	vmul.f32 v55, v55;
	v9 =	vadd.f32 v59, v9;
	v6 =	vadd.f32 v8, v6  }
0x93: {  	v7 =	vadd.f32 v62, v7  }
0x94: {  	v63 =	vadd.f32 v61, v9;
	v6 =	vadd.f32 v60, v6;
	_ =	sdelay $0x1  }
0x95: {  	v7 =	vsub.f32 v63, v7;
	v6 =	vsub.f32 v6, v63;
	_ =	sdelay $0x1  }
0x96: {  	v7 =	vadd.f32 $3.000000120e-01, v7;
	v6 =	vadd.f32 $3.000000120e-01, v6;
	_ =	sdelay $0x1  }
0x97: {  	v7 =	vmax.f32 v7, $0.0e+00;
	v6 =	vmax.f32 v6, $0.0e+00  }
0x98: {  	s14 =	sadd.s32 s14, s31;
	v6 =	vadd.f32 v7, v6  }
0x99: {  	s0 =	sadd.s32 $0x1, s0;
	p0 =	slt.u32 s14, $0xC350  }
0x9a: {  	v6 =	vpsel !p0, $0x0, v6;
	p0 =	sne.s32 s0, $0x5  }
.Ltmp1:
0x9b: {  	_ = 	snop;
	(pc) =	sbr.rel @p0 .LBB2_3-.Ltmp1, $2  }
0x9c: {  	_ =	sdelay $0x2  }
0x9d: {  	v5 =	vadd.f32 v6, v5  }
0x9e: {  	_ =	swait.ge [sflag:s25], $0x2800  }
0x9f: {  	[sflag:s25] =	ssyncset.done $0x0  }
0xa0: {  	[sflag:s25] =	ssyncadd.s32 $0xFFFFD800  }
0xa1: {  	_ =	swait.ge [sflag:s25], $0x2800  }
0xa2: {  	[sflag:s25] =	ssyncset.done $0x0  }
0xa3: {  	[sflag:s25] =	ssyncadd.s32 $0xFFFFD800  }
0xa4: {  	_ =	swait.ge [sflag:s25], $0x2800  }
0xa5: {  	[sflag:s25] =	ssyncset.done $0x0  }
0xa6: {  	p0 =	seq.s32 s29, $0x9;
	[sflag:s25] =	ssyncadd.s32 $0xFFFFD800  }
0xa7: {  	s0 =	sshll.u32 @!p0 s29, $0xA;
	_ =	swait.ge [sflag:s25], $0x2800  }
0xa8: {  	s14 =	simm.s32 @!p0 $0x50;
	s0 =	sand.u32 @!p0 $0x3FFFFC00, s0;
	[sflag:s25] =	ssyncset.done $0x0  }
0xa9: {  	s15 =	simm.s32 @!p0 $0x2800;
	s1 =	sadd.s32 @!p0 $0x400, s0;
	[sflag:s25] =	ssyncadd.s32 $0xFFFFD800  }
0xaa: {  	[tilespmem:s15], [sflag:$0x1] =	stream.indirect.gather @!p0 [spmem:s2], $0x80, s1, s14, $0xb8;
	[tilespmem:$0x1E880] =	vst v63  }
0xab: {  	s1 =	sadd.s32 @!p0 $0x480, s0;
	s15 =	simm.s32 @!p0 $0x5000  }
0xac: {  	[tilespmem:s15], [sflag:$0x1] =	stream.indirect.gather @!p0 [spmem:s2], $0x80, s1, s14, $0xb8;
	[tilespmem:$0x1E880] =	vst v63  }
0xad: {  	s1 =	sadd.s32 @!p0 $0x500, s0;
	s15 =	simm.s32 @!p0 $0x7800  }
0xae: {  	[tilespmem:s15], [sflag:$0x1] =	stream.indirect.gather @!p0 [spmem:s2], $0x80, s1, s14, $0xb8;
	[tilespmem:$0x1E880] =	vst v63  }
0xaf: {  	s31 =	smul.u32 $0x50, s30;
	s0 =	sadd.s32 @!p0 $0x580, s0;
	s1 =	simm.s32 @!p0 $0xA000  }
0xb0: {  	[tilespmem:s1], [sflag:$0x1] =	stream.indirect.gather @!p0 [spmem:s2], $0x80, s0, s14, $0xb8;
	[tilespmem:$0x1E880] =	vst v63  }
0xb1: {  	s30 =	sadd.s32 s4, s31;
	s1 =	simm.s32 $0x0;
	s0 =	simm.s32 $0x0  }
.LBB2_7:
0xb2: {  	s14 =	sshll.u32 s0, $0x4  }
0xb3: {  	s15 =	simm.s32 $0x1;
	v6 =	vmov s14  }
0xb4: {  	v7 =	vadd.s32 s15, v0;
	v9 =	vshll.u32 v6, $0x7  }
0xb5: {  	v10 =	vand.u32 $0x7F, v7;
	v6 =	vor.u32 v1, v9  }
0xb6: {  	v7 =	vadd.s32 v4, v9;
	v11 =	vor.u32 v6, v10  }
0xb7: {  	s31 =	simm.s32 $0x2;
	v8 =	vadd.s32 v2, v9;
	v12 =	vor.u32 v7, v10  }
0xb8: {  	v13 =	vadd.s32 s31, v0;
	v9 =	vadd.s32 v3, v9;
	v14 =	vor.u32 v8, v10  }
0xb9: {  	s16 =	simm.s32 $0x3;
	v13 =	vand.u32 $0x7F, v13;
	v10 =	vor.u32 v9, v10  }
0xba: {  	v15 =	vadd.s32 s16, v0;
	v16 =	vor.u32 v7, v13  }
0xbb: {  	v15 =	vand.u32 $0x7F, v15;
	v17 =	vor.u32 v9, v13;
	v11 =	vld.idx.msk [tilespmem:v11+s21+$0x0], $0xffff  }
0xbc: {  	v18 =	vor.u32 v8, v15;
	v12 =	vld.idx.msk [tilespmem:v12+s21+$0x0], $0xffff  }
0xbd: {  	v21 =	vadd.s32 s1, v0;
	v19 =	vor.u32 v6, v13;
	v14 =	vld.idx.msk [tilespmem:v14+s21+$0x0], $0xffff  }
0xbe: {  	s17 =	simm.s32 $0x4;
	v21 =	vand.u32 $0x7F, v21;
	v20 =	vor.u32 v9, v15;
	v10 =	vld.idx.msk [tilespmem:v10+s21+$0x0], $0xffff  }
0xbf: {  	v24 =	vadd.s32 s17, v0;
	v22 =	vor.u32 v7, v15;
	v15 =	vor.u32 v6, v15;
	v23 =	vld.idx.msk [tilespmem:v16+s21+$0x0], $0xffff  }
0xc0: {  	v24 =	vand.u32 $0x7F, v24;
	v25 =	vor.u32 v9, v21;
	v17 =	vld.idx.msk [tilespmem:v17+s21+$0x0], $0xffff  }
0xc1: {  	v26 =	vor.u32 v6, v24;
	v18 =	vld.idx.msk [tilespmem:v18+s21+$0x0], $0xffff  }
0xc2: {  	v27 =	vor.u32 v8, v24;
	v19 =	vld.idx.msk [tilespmem:v19+s21+$0x0], $0xffff  }
0xc3: {  	v28 =	vor.u32 v7, v24;
	v24 =	vor.u32 v9, v24;
	v20 =	vld.idx.msk [tilespmem:v20+s21+$0x0], $0xffff  }
0xc4: {  	v15 =	vld.idx.msk [tilespmem:v15+s21+$0x0], $0xffff  }
0xc5: {  	s18 =	simm.s32 $0x6;
	v13 =	vor.u32 v8, v13;
	v35 =	vld.idx.msk [tilespmem:v25+s21+$0x0], $0xffff  }
0xc6: {  	v30 =	vimm.f32 $0.0e+00;
	v29 =	vadd.s32 s18, v0;
	v26 =	vld.idx.msk [tilespmem:v26+s21+$0x0], $0xffff  }
0xc7: {  	s19 =	simm.s32 $0x5;
	v32 =	vor.u32 v7, v21;
	v16 =	vor.u32 v6, v21;
	v25 =	vand.u32 $0x7F, v29;
	v27 =	vld.idx.msk [tilespmem:v27+s21+$0x0], $0xffff  }
0xc8: {  	v21 =	vor.u32 v8, v21;
	v29 =	vadd.s32 s19, v0;
	v24 =	vld.idx.msk [tilespmem:v24+s21+$0x0], $0xffff;
	v31 =	vor.u32 v8, v25  }
0xc9: {  	v22 =	vld.idx.msk [tilespmem:v22+s21+$0x0], $0xffff;
	v33 =	vor.u32 v6, v25;
	v34 =	vor.u32 v7, v25;
	v12 =	vsub.f32 v11, v12  }
0xca: {  	v13 =	vld.idx.msk [tilespmem:v13+s21+$0x0], $0xffff;
	v25 =	vor.u32 v9, v25;
	v36 =	vsub.f32 v11, v10;
	v41 =	vsub.f32 v19, v17  }
0xcb: {  	s31 =	simm.s32 $0x7;
	v37 =	vld.idx.msk [tilespmem:v28+s21+$0x0], $0xffff;
	v10 =	vand.u32 $0x7F, v29;
	v11 =	vsub.f32 v11, v14;
	v14 =	vsub.f32 v19, v23  }
0xcc: {  	v38 =	vld.idx.msk [tilespmem:v32+s21+$0x0], $0xffff;
	v17 =	vadd.s32 s31, v0;
	v43 =	vsub.f32 v15, v20;
	v18 =	vsub.f32 v15, v18  }
0xcd: {  	v16 =	vld.idx.msk [tilespmem:v16+s21+$0x0], $0xffff;
	v27 =	vsub.f32 v26, v27;
	v24 =	vsub.f32 v26, v24;
	v39 =	vor.u32 v7, v10  }
0xce: {  	v21 =	vld.idx.msk [tilespmem:v21+s21+$0x0], $0xffff;
	v40 =	vor.u32 v9, v10;
	v42 =	vand.u32 $0x7F, v17;
	v28 =	vor.u32 v8, v10  }
0xcf: {  	v29 =	vld.idx.msk [tilespmem:v31+s21+$0x0], $0xffff;
	v44 =	vor.u32 v6, v10;
	v20 =	vor.u32 v6, v42;
	v11 =	vmul.f32 v11, v11  }
0xd0: {  	v33 =	vld.idx.msk [tilespmem:v33+s21+$0x0], $0xffff;
	v17 =	vmul.f32 v12, v12;
	v12 =	vsub.f32 v19, v13;
	v13 =	vsub.f32 v15, v22  }
0xd1: {  	v22 =	vsub.f32 v26, v37;
	v31 =	vor.u32 v9, v42;
	v37 =	vld.idx.msk [tilespmem:v34+s21+$0x0], $0xffff;
	v19 =	vmul.f32 v14, v14  }
0xd2: {  	v34 =	vld.idx.msk [tilespmem:v25+s21+$0x0], $0xffff;
	v25 =	vor.u32 v8, v42;
	v14 =	vmul.f32 v18, v18;
	v18 =	vmul.f32 v43, v43  }
0xd3: {  	v23 =	vor.u32 v7, v42;
	v15 =	vmul.f32 v12, v12;
	v12 =	vmul.f32 v13, v13;
	v39 =	vld.idx.msk [tilespmem:v39+s21+$0x0], $0xffff  }
0xd4: {  	v10 =	vmul.f32 v22, v22;
	v13 =	vmul.f32 v27, v27;
	v63 =	vsub.f32 v16, v21;
	v27 =	vld.idx.msk [tilespmem:v40+s21+$0x0], $0xffff  }
0xd5: {  	v26 =	vimm.f32 $0.0e+00;
	v22 =	vmul.f32 v36, v36;
	v21 =	vmul.f32 v41, v41;
	v32 =	vld.idx.msk [tilespmem:v44+s21+$0x0], $0xffff  }
0xd6: {  	s15 =	simm.s32 $0x8;
	v40 =	vsub.f32 v16, v35;
	v35 =	vimm.f32 $0.0e+00;
	v20 =	vld.idx.msk [tilespmem:v20+s21+$0x0], $0xffff;
	v36 =	vmul.f32 v63, v63  }
.LBB2_8:
0xd7: {  	s17 =	sadd.s32 $0x1, s15  }
0xd8: {  	p0 =	slt.u32 s15, $0x78;
	v24 =	vmul.f32 v24, v24;
	v28 =	vld.idx.msk [tilespmem:v28+s21+$0x0], $0xffff;
	v37 =	vsub.f32 v33, v37;
	v29 =	vsub.f32 v33, v29;
	s16 =	smov.u32 s15;
	s15 =	sadd.s32 $0x8, s15  }
0xd9: {  	v33 =	vsub.f32 v33, v34;
	v41 =	vadd.s32 s17, v0;
	s17 =	sadd.s32 $0x2, s16;
	s18 =	sadd.s32 $0x5, s16;
	v40 =	vmul.f32 v40, v40;
	v34 =	vld.idx.msk [tilespmem:v23+s21+$0x0], $0xffff  }
0xda: {  	v41 =	vand.u32 $0x7F, v41;
	v42 =	vadd.s32 s17, v0;
	v23 =	vmul.f32 v29, v29;
	v29 =	vld.idx.msk [tilespmem:v31+s21+$0x0], $0xffff  }
0xdb: {  	v31 =	vor.u32 v6, v41;
	v43 =	vor.u32 v8, v41;
	v30 =	vadd.f32 v40, v30  }
0xdc: {  	s19 =	sadd.s32 $0x4, s16;
	v16 =	vsub.f32 v16, v38;
	s17 =	sadd.s32 $0x3, s16;
	v40 =	vor.u32 v7, v41;
	v41 =	vor.u32 v9, v41  }
0xdd: {  	v38 =	vand.u32 $0x7F, v42;
	v42 =	vadd.s32 s17, v0;
	v39 =	vsub.f32 v32, v39  }
0xde: {  	v44 =	vor.u32 v6, v38;
	v45 =	vor.u32 v7, v38;
	v28 =	vsub.f32 v32, v28  }
0xdf: {  	v46 =	vor.u32 v9, v38;
	v42 =	vand.u32 $0x7F, v42;
	v34 =	vsub.f32 v20, v34;
	v25 =	vld.idx.msk [tilespmem:v25+s21+$0x0], $0xffff  }
0xe0: {  	v35 =	vadd.f32 v36, v35;
	v47 =	vor.u32 v6, v42;
	v48 =	vor.u32 v8, v42;
	v31 =	vld.idx.msk [tilespmem:v31+s21+$0x0], $0xffff  }
0xe1: {  	v36 =	vadd.s32 s16, v0;
	v50 =	vmul.f32 v37, v37;
	v49 =	vor.u32 v9, v42;
	v40 =	vld.idx.msk [tilespmem:v40+s21+$0x0], $0xffff  }
0xe2: {  	v36 =	vand.u32 $0x7F, v36;
	v42 =	vor.u32 v7, v42;
	v37 =	vld.idx.msk [tilespmem:v43+s21+$0x0], $0xffff;
	v43 =	vmul.f32 v28, v28  }
0xe3: {  	v51 =	vor.u32 v7, v36;
	v52 =	vmul.f32 v34, v34;
	v28 =	vor.u32 v6, v36;
	v41 =	vld.idx.msk [tilespmem:v41+s21+$0x0], $0xffff  }
0xe4: {  	v53 =	vadd.s32 s19, v0;
	v27 =	vsub.f32 v32, v27;
	v34 =	vor.u32 v8, v36;
	v45 =	vld.idx.msk [tilespmem:v45+s21+$0x0], $0xffff  }
0xe5: {  	v16 =	vmul.f32 v16, v16;
	v32 =	vld.idx.msk [tilespmem:v46+s21+$0x0], $0xffff;
	v46 =	vand.u32 $0x7F, v53;
	v53 =	vadd.s32 s18, v0  }
0xe6: {  	v29 =	vsub.f32 v20, v29;
	v36 =	vor.u32 v9, v36;
	v48 =	vld.idx.msk [tilespmem:v48+s21+$0x0], $0xffff;
	v54 =	vor.u32 v6, v46  }
0xe7: {  	v38 =	vor.u32 v8, v38;
	v16 =	vadd.f32 v16, v26;
	v40 =	vsub.f32 v31, v40;
	v44 =	vld.idx.msk [tilespmem:v44+s21+$0x0], $0xffff  }
0xe8: {  	v56 =	vmul.f32 v29, v29;
	v55 =	vor.u32 v9, v46;
	v26 =	vld.idx.msk [tilespmem:v49+s21+$0x0], $0xffff;
	v49 =	vor.u32 v7, v46  }
0xe9: {  	v17 =	vadd.f32 v17, v16;
	v29 =	vor.u32 v8, v46;
	v41 =	vsub.f32 v31, v41;
	v42 =	vld.idx.msk [tilespmem:v42+s21+$0x0], $0xffff  }
0xea: {  	s17 =	sadd.s32 $0x6, s16;
	v20 =	vsub.f32 v20, v25;
	v46 =	vld.idx.msk [tilespmem:v47+s21+$0x0], $0xffff;
	v47 =	vand.u32 $0x7F, v53;
	v53 =	vmul.f32 v33, v33  }
0xeb: {  	v27 =	vmul.f32 v27, v27;
	v25 =	vadd.s32 s17, v0;
	v16 =	vld.idx.msk [tilespmem:v28+s21+$0x0], $0xffff;
	v57 =	vor.u32 v7, v47  }
0xec: {  	v11 =	vadd.f32 v11, v35;
	v25 =	vand.u32 $0x7F, v25;
	v58 =	vor.u32 v9, v47;
	v36 =	vld.idx.msk [tilespmem:v36+s21+$0x0], $0xffff  }
0xed: {  	v22 =	vadd.f32 v22, v30;
	v33 =	vor.u32 v6, v25;
	v32 =	vsub.f32 v44, v32;
	v35 =	vld.idx.msk [tilespmem:v54+s21+$0x0], $0xffff  }
0xee: {  	v17 =	vadd.f32 v19, v17;
	v54 =	vor.u32 v8, v25;
	v30 =	vld.idx.msk [tilespmem:v38+s21+$0x0], $0xffff;
	v38 =	vor.u32 v7, v25  }
0xef: {  	v15 =	vadd.f32 v15, v11;
	v19 =	vsub.f32 v44, v45;
	v45 =	vld.idx.msk [tilespmem:v55+s21+$0x0], $0xffff;
	v55 =	vor.u32 v9, v25  }
0xf0: {  	s16 =	sadd.s32 $0x7, s16;
	v21 =	vadd.f32 v21, v22;
	v22 =	vmul.f32 v39, v39;
	v59 =	vsub.f32 v46, v26;
	v25 =	vld.idx.msk [tilespmem:v29+s21+$0x0], $0xffff  }
0xf1: {  	v11 =	vsub.f32 v31, v37;
	v31 =	vadd.s32 s16, v0;
	v26 =	vld.idx.msk [tilespmem:v49+s21+$0x0], $0xffff;
	v49 =	vmul.f32 v20, v20  }
0xf2: {  	v12 =	vadd.f32 v12, v17;
	v28 =	vor.u32 v8, v47;
	v39 =	vsub.f32 v46, v48  }
0xf3: {  	v14 =	vadd.f32 v14, v15;
	v18 =	vadd.f32 v18, v21;
	v11 =	vmul.f32 v11, v11  }
0xf4: {  	v10 =	vadd.f32 v10, v12;
	v17 =	vmul.f32 v40, v40;
	v15 =	vsub.f32 v44, v30;
	v29 =	vld.idx.msk [tilespmem:v54+s21+$0x0], $0xffff  }
0xf5: {  	v13 =	vadd.f32 v13, v14;
	v21 =	vand.u32 $0x7F, v31;
	v12 =	vsub.f32 v46, v42  }
0xf6: {  	v18 =	vadd.f32 v24, v18;
	v14 =	vor.u32 v6, v21;
	v30 =	vsub.f32 v35, v25  }
0xf7: {  	v22 =	vadd.f32 v22, v10;
	v31 =	vor.u32 v9, v21;
	v20 =	vsub.f32 v35, v26;
	v24 =	vld.idx.msk [tilespmem:v34+s21+$0x0], $0xffff  }
0xf8: {  	v13 =	vadd.f32 v43, v13;
	v42 =	vor.u32 v6, v47;
	v25 =	vor.u32 v8, v21;
	v33 =	vld.idx.msk [tilespmem:v33+s21+$0x0], $0xffff  }
0xf9: {  	v18 =	vadd.f32 v27, v18;
	v12 =	vmul.f32 v12, v12;
	v15 =	vmul.f32 v15, v15;
	v37 =	vld.idx.msk [tilespmem:v38+s21+$0x0], $0xffff  }
0xfa: {  	v19 =	vmul.f32 v19, v19;
	v26 =	vadd.f32 v50, v22;
	v10 =	vmul.f32 v20, v20;
	v34 =	vld.idx.msk [tilespmem:v55+s21+$0x0], $0xffff  }
.Ltmp2:
0xfb: {  	v40 =	vadd.f32 v23, v13;
	v22 =	vmul.f32 v41, v41;
	v41 =	vadd.f32 v53, v18;
	v20 =	vld.idx.msk [tilespmem:v14+s21+$0x0], $0xffff;
	(pc) =	sbr.rel @p0 .LBB2_8-.Ltmp2, $4  }
0xfc: {  	v23 =	vor.u32 v7, v21;
	v26 =	vadd.f32 v52, v26;
	v14 =	vmul.f32 v39, v39;
	v38 =	vld.idx.msk [tilespmem:v51+s21+$0x0], $0xffff  }
0xfd: {  	v21 =	vmul.f32 v32, v32;
	v13 =	vmul.f32 v30, v30;
	v43 =	vsub.f32 v16, v24;
	v39 =	vld.idx.msk [tilespmem:v57+s21+$0x0], $0xffff  }
0xfe: {  	v18 =	vmul.f32 v59, v59;
	v24 =	vsub.f32 v35, v45;
	v35 =	vadd.f32 v49, v40;
	v27 =	vld.idx.msk [tilespmem:v58+s21+$0x0], $0xffff  }
0xff: {  	v30 =	vadd.f32 v56, v41;
	v40 =	vsub.f32 v16, v36;
	v36 =	vmul.f32 v43, v43;
	v32 =	vld.idx.msk [tilespmem:v42+s21+$0x0], $0xffff  }
0x100: {  	_ =	sdelay $0x3  }
0x101: {  	v7 =	vld.idx.msk [tilespmem:v28+s21+$0x0], $0xffff;
	v6 =	vsub.f32 v16, v38  }
0x102: {  	v8 =	vsub.f32 v33, v37;
	v9 =	vmul.f32 v40, v40;
	v48 =	vadd.f32 v36, v35  }
0x103: {  	v45 =	vsub.f32 v33, v29;
	v46 =	vsub.f32 v33, v34;
	v23 =	vld.idx.msk [tilespmem:v23+s21+$0x0], $0xffff;
	v6 =	vmul.f32 v6, v6  }
0x104: {  	v9 =	vadd.f32 v9, v30;
	v11 =	vadd.f32 v11, v48  }
0x105: {  	v49 =	vld.idx.msk [tilespmem:v31+s21+$0x0], $0xffff;
	v47 =	vsub.f32 v32, v39;
	v6 =	vadd.f32 v6, v26  }
0x106: {  	v54 =	vsub.f32 v32, v27;
	v7 =	vsub.f32 v32, v7  }
0x107: {  	v9 =	vadd.f32 v22, v9;
	v6 =	vadd.f32 v17, v6  }
0x108: {  	v50 =	vsub.f32 v20, v23;
	v11 =	vadd.f32 v15, v11  }
0x109: {  	v52 =	vld.idx.msk [tilespmem:v25+s21+$0x0], $0xffff;
	v9 =	vadd.f32 v21, v9;
	v6 =	vadd.f32 v19, v6  }
0x10a: {  	v51 =	vmul.f32 v24, v24;
	v55 =	vsub.f32 v20, v49;
	v11 =	vadd.f32 v14, v11  }
0x10b: {  	v53 =	vmul.f32 v45, v45;
	v9 =	vadd.f32 v18, v9;
	v6 =	vadd.f32 v12, v6  }
0x10c: {  	v56 =	vmul.f32 v47, v47;
	v7 =	vmul.f32 v7, v7;
	v11 =	vadd.f32 v13, v11  }
0x10d: {  	v57 =	vmul.f32 v54, v54;
	v9 =	vadd.f32 v51, v9;
	v6 =	vadd.f32 v10, v6  }
0x10e: {  	v8 =	vmul.f32 v8, v8;
	v58 =	vsub.f32 v20, v52;
	v7 =	vadd.f32 v7, v11  }
0x10f: {  	v59 =	vmul.f32 v46, v46;
	v9 =	vadd.f32 v57, v9;
	v6 =	vadd.f32 v56, v6  }
0x110: {  	v60 =	vmul.f32 v50, v50;
	v62 =	vmul.f32 v58, v58;
	v7 =	vadd.f32 v53, v7  }
0x111: {  	v61 =	vmul.f32 v55, v55;
	v9 =	vadd.f32 v59, v9;
	v6 =	vadd.f32 v8, v6  }
0x112: {  	v7 =	vadd.f32 v62, v7  }
0x113: {  	v63 =	vadd.f32 v61, v9;
	v6 =	vadd.f32 v60, v6;
	_ =	sdelay $0x1  }
0x114: {  	v7 =	vsub.f32 v63, v7;
	v6 =	vsub.f32 v6, v63;
	_ =	sdelay $0x1  }
0x115: {  	v7 =	vadd.f32 $3.000000120e-01, v7;
	v6 =	vadd.f32 $3.000000120e-01, v6;
	_ =	sdelay $0x1  }
0x116: {  	v7 =	vmax.f32 v7, $0.0e+00;
	v6 =	vmax.f32 v6, $0.0e+00  }
0x117: {  	s14 =	sadd.s32 s14, s30;
	v6 =	vadd.f32 v7, v6  }
0x118: {  	s0 =	sadd.s32 $0x1, s0;
	p0 =	slt.u32 s14, $0xC350  }
0x119: {  	v6 =	vpsel !p0, $0x0, v6;
	p0 =	sne.s32 s0, $0x5  }
.Ltmp3:
0x11a: {  	_ = 	snop;
	(pc) =	sbr.rel @p0 .LBB2_7-.Ltmp3, $2  }
0x11b: {  	_ =	sdelay $0x2  }
0x11c: {  	v5 =	vadd.f32 v6, v5  }
0x11d: {  	s29 =	sadd.s32 $0x1, s29  }
0x11e: {  	p0 =	sne.s32 s29, $0xA  }
.Ltmp4:
0x11f: {  	_ = 	snop;
	(pc) =	sbr.rel @p0 .LBB2_2-.Ltmp4, $1  }
0x120: {  	_ =	sdelay $0x3  }
0x121: {  	s28 =	sadd.s32 $0x1, s28  }
0x122: {  	p0 =	sne.s32 s28, s9  }
.Ltmp5:
0x123: {  	[tilespmem:$0x16800] =	vst v5;
	(pc) =	sbr.rel @p0 .LBB2_1-.Ltmp5, $4  }
0x124: {  	[hbm4b:s8+s3] =	stream.linear.scatter [tilespmem:s26], [sflag:$0x3], $0x80, $0x38;
	[tilespmem:$0x1E880] =	vst v63  }
0x125: {  	_ =	swait.ge [sflag:s11], $0x80  }
0x126: {  	[sflag:s11] =	ssyncset.done $0x0  }
0x127: {  	[sflag:s11] =	ssyncadd.s32 $0xFFFFFF80  }
0x128: {  	_ =	sfence.sel $0x180000  }
0x129: {  	[bflag:$0x0] =	sbarrier.arrive $0xFFFF  }
0x12a: {  	_ =	strace $0x90000047  }
0x12b: {  	s0 =	stileid.u32;
	[bflag:$0x2] =	sbarrier.arrive $0xFFFF  }
0x12c: {  	p0 =	sne.s32 s0, $0x0;
	s0 =	rddreg [dreg:$0x3]  }
0x12d: {  	s0 =	sadd.s32 @!p0 $0x100000, s0  }
0x12e: {  	[sflag:s0] =	ssyncadd.tile.s32 @!p0 $0x1;
	_ =	shalt  }
.Lfunc_end2:
_tile_overlayer_lowered:
.L_overlay_start_2:
0x12f: {  	(tag) =	ssettag $0x2  }
0x130: {  	s0 =	rddreg [dreg:$0x0];
	s2 =	stileid.u32  }
0x131: {  	s1 =	rddreg [dreg:$0x1];
	p0 =	sne.s32 s2, $0x0  }
0x132: {  	s3 =	rddreg [dreg:$0x2];
	[bflag:$0x3] =	sbarrier.arrive $0xFFFF;
	s2 =	simm.s32 @!p0 $0x1C03  }
0x133: {  	[timem:s3], [sflag:s2] =	dma.local @!p0 [hbm:s0], s1  }
0x134: {  	s0 =	simm.s32 @!p0 $0x3  }
0x135: {  	_ =	swait.ge @!p0 [sflag:s0], s1  }
0x136: {  	s1 =	ssub.s32 @!p0 $0x0, s1;
	[sflag:s0] =	ssyncset.done @!p0 $0x0  }
0x137: {  	[sflag:s0] =	ssyncadd.s32 @!p0 s1  }
0x138: {  	[bflag:$0x3] =	sbarrier.arrive $0xFFFF  }
0x139: {  	_ =	shalt  }

</sc_bundles>
